<compile_context>
chip_gen: v7x
topology: tpu7x:2x2x1
jax: 0.10.2.dev20260603
libtpu: 0.0.44.dev20260713+nightly
codegen_flags: <defaults>
</compile_context>

<pallas_src>
import dataclasses
import functools

import jax
import jax.numpy as jnp
from jax import lax
from jax.experimental import pallas as pl
from jax.experimental.pallas import tpu as pltpu
from jax.experimental.pallas import tpu_sc as plsc

N = 10000
E = 160000
IN = 128
HID = 8
OUT = 128
D_E = 16

NC = 2
NS = 16
NW = NC * NS
EPW = E // NW

EB = 1280
NB = 2000

CHG = 128
NFULL = EPW // CHG
GTAIL = EPW - NFULL * CHG
ROW_W = IN


def _gather_rows(x_i32, src):
    mesh = plsc.VectorSubcoreMesh(core_axis_name="c", subcore_axis_name="s")

    @functools.partial(
        pl.kernel,
        mesh=mesh,
        out_type=jax.ShapeDtypeStruct((E, ROW_W), jnp.int32),
        scratch_types=[
            pltpu.VMEM((EPW,), jnp.int32),
            pltpu.VMEM((CHG, ROW_W), jnp.int32),
            pltpu.VMEM((GTAIL, ROW_W), jnp.int32),
        ],
    )
    def body(x_hbm, src_hbm, xj_hbm, idx_v, buf_v, tail_v):
        cid = lax.axis_index("c")
        sid = lax.axis_index("s")
        wid = sid * NC + cid
        base = wid * EPW

        pltpu.sync_copy(src_hbm.at[pl.ds(base, EPW)], idx_v)

        @pl.loop(0, NFULL)
        def _(k):
            pltpu.sync_copy(x_hbm.at[idx_v.at[pl.ds(k * CHG, CHG)]], buf_v)
            pltpu.sync_copy(buf_v, xj_hbm.at[pl.ds(base + k * CHG, CHG)])

        toff = NFULL * CHG
        pltpu.sync_copy(x_hbm.at[idx_v.at[pl.ds(toff, GTAIL)]], tail_v)
        pltpu.sync_copy(tail_v, xj_hbm.at[pl.ds(base + toff, GTAIL)])

    return body(x_i32, src)


def _scatter_add(msg_flat, dst):
    mesh = plsc.VectorSubcoreMesh(core_axis_name="c", subcore_axis_name="s")
    LANES = 16
    EPAIR = EPW // 2
    cp = pltpu.CompilerParams()
    if "needs_layout_passes" in pltpu.CompilerParams.__dataclass_fields__:
        cp = dataclasses.replace(cp, needs_layout_passes=False)

    @functools.partial(
        pl.kernel,
        mesh=mesh,
        compiler_params=cp,
        out_type=jax.ShapeDtypeStruct((NW, N * HID), jnp.float32),
        scratch_types=[
            pltpu.VMEM((EPW,), jnp.int32),
            pltpu.VMEM((EPW * HID,), jnp.float32),
            pltpu.VMEM((N * HID,), jnp.float32),
        ],
    )
    def body(msg_hbm, dst_hbm, agg_hbm, dst_v, msg_v, acc_v):
        cid = lax.axis_index("c")
        sid = lax.axis_index("s")
        wid = sid * NC + cid

        pltpu.sync_copy(dst_hbm.at[pl.ds(wid * EPW, EPW)], dst_v)
        pltpu.sync_copy(msg_hbm.at[pl.ds(wid * EPW * HID, EPW * HID)], msg_v)

        zero16 = jnp.zeros((LANES,), jnp.float32)

        @pl.loop(0, N * HID // LANES)
        def _(i):
            acc_v[pl.ds(i * LANES, LANES)] = zero16

        lane = lax.iota(jnp.int32, LANES)
        pair_sel = lax.shift_right_logical(lane, 3)
        col = lax.bitwise_and(lane, 7)

        @pl.loop(0, EPAIR)
        def _(j):
            rows = plsc.load_gather(dst_v, [j * 2 + pair_sel])
            flat = lax.shift_left(rows, 3) + col
            vals = msg_v[pl.ds(j * LANES, LANES)]
            plsc.addupdate_scatter(acc_v, [flat], vals)

        pltpu.sync_copy(acc_v, agg_hbm.at[wid])

    return body(msg_flat, dst)


def _msg_body(ea_ref, xj_ref, w1r_ref, b1r_ref, out_ref):
    ea = ea_ref[...]
    xj = xj_ref[...]
    cols = []
    for h in range(HID):
        ewh = jnp.maximum(
            jnp.dot(ea, w1r_ref[h], preferred_element_type=jnp.float32)
            + b1r_ref[h][None, :],
            0.0,
        )
        cols.append(jnp.sum(xj * ewh, axis=1, keepdims=True))
    out_ref[...] = jnp.concatenate(cols, axis=1)


def _messages(ea, xj, w1r, b1r):
    return pl.pallas_call(
        _msg_body,
        grid=(E // EB,),
        in_specs=[
            pl.BlockSpec((EB, D_E), lambda i: (i, 0)),
            pl.BlockSpec((EB, IN), lambda i: (i, 0)),
            pl.BlockSpec((HID, D_E, IN), lambda i: (0, 0, 0)),
            pl.BlockSpec((HID, IN), lambda i: (0, 0)),
        ],
        out_specs=pl.BlockSpec((EB, HID), lambda i: (i, 0)),
        out_shape=jax.ShapeDtypeStruct((E, HID), jnp.float32),
    )(ea, xj, w1r, b1r)


def _reduce_body(agg_ref, out_ref):
    out_ref[...] = jnp.sum(agg_ref[...], axis=0)


def _reduce_partials(agg):
    rows = N * HID // 128
    return pl.pallas_call(
        _reduce_body,
        grid=(1,),
        in_specs=[pl.BlockSpec((NW, rows, 128), lambda i: (0, 0, 0))],
        out_specs=pl.BlockSpec((rows, 128), lambda i: (0, 0)),
        out_shape=jax.ShapeDtypeStruct((rows, 128), jnp.float32),
    )(agg.reshape(NW, rows, 128))


def _node_body(x_ref, agg_ref, wr_ref, bc_ref, lg_ref, lb_ref, wl_ref,
               bl_ref, out_ref):
    x = x_ref[...]
    agg = agg_ref[...]
    h = (jnp.dot(x, wr_ref[...], preferred_element_type=jnp.float32)
         + agg + bc_ref[0][None, :])
    mu = jnp.mean(h, axis=1, keepdims=True)
    var = jnp.mean((h - mu) * (h - mu), axis=1, keepdims=True)
    hn = (h - mu) * lax.rsqrt(var + 1e-5) * lg_ref[0][None, :] + lb_ref[0][None, :]
    hn = jnp.maximum(hn, 0.0)
    out_ref[...] = (jnp.dot(hn, wl_ref[...], preferred_element_type=jnp.float32)
                    + bl_ref[0][None, :])


def _node_stage(x, agg, W_root, b_conv, ln_g, ln_b, W_lin, b_lin):
    return pl.pallas_call(
        _node_body,
        grid=(N // NB,),
        in_specs=[
            pl.BlockSpec((NB, IN), lambda i: (i, 0)),
            pl.BlockSpec((NB, HID), lambda i: (i, 0)),
            pl.BlockSpec((IN, HID), lambda i: (0, 0)),
            pl.BlockSpec((1, HID), lambda i: (0, 0)),
            pl.BlockSpec((1, HID), lambda i: (0, 0)),
            pl.BlockSpec((1, HID), lambda i: (0, 0)),
            pl.BlockSpec((HID, OUT), lambda i: (0, 0)),
            pl.BlockSpec((1, OUT), lambda i: (0, 0)),
        ],
        out_specs=pl.BlockSpec((NB, OUT), lambda i: (i, 0)),
        out_shape=jax.ShapeDtypeStruct((N, OUT), jnp.float32),
    )(x, agg, W_root, b_conv.reshape(1, HID), ln_g.reshape(1, HID),
      ln_b.reshape(1, HID), W_lin, b_lin.reshape(1, OUT))


def kernel(x, edge_attr, edge_index, W1, b1, W_root, b_conv, ln_g, ln_b,
           W_lin, b_lin):
    src = edge_index[0]
    dst = edge_index[1]
    w1r = W1.reshape(D_E, IN, HID).transpose(2, 0, 1)
    b1r = b1.reshape(IN, HID).T

    x_i32 = jax.lax.bitcast_convert_type(x, jnp.int32)
    xj_i32 = _gather_rows(x_i32, src)
    xj = jax.lax.bitcast_convert_type(xj_i32, jnp.float32)
    msg = _messages(edge_attr, xj, w1r, b1r)
    parts = _scatter_add(msg.reshape(E * HID), dst)
    agg = _reduce_partials(parts).reshape(N, HID)
    return _node_stage(x, agg, W_root, b_conv, ln_g, ln_b, W_lin, b_lin)

# --- scband reference (transcript-rebuilt; emitter-appended) ---
"""Pipeline reference for scband-simple-gnn-16363825398402 (READ-ONLY COPY).

The authoritative reference and input builder live on the scoring server;
editing this copy changes nothing except your own understanding.
"""

import jax, jax.numpy as jnp
import numpy as np

N = 10000
E = 160000
IN = 128
HID = 8
OUT = 128
D_E = 16


def setup_inputs(seed: int = 0) -> dict:
    key = jax.random.key(seed)
    ks = jax.random.split(key, 8)
    x = jax.random.normal(ks[0], (N, IN), dtype=jnp.float32)
    edge_index = jax.random.randint(ks[1], (2, E), 0, N, dtype=jnp.int32)
    edge_attr = jax.random.normal(ks[2], (E, D_E), dtype=jnp.float32)
    # edge_nn: Linear(D_E -> IN*HID) + ReLU
    W1 = jax.random.normal(ks[3], (D_E, IN * HID), dtype=jnp.float32) * 0.1
    b1 = jnp.zeros((IN * HID,), dtype=jnp.float32)
    # NNConv root weight + bias
    W_root = jax.random.normal(ks[4], (IN, HID), dtype=jnp.float32) * 0.1
    b_conv = jnp.zeros((HID,), dtype=jnp.float32)
    # LayerNorm affine params
    ln_g = jnp.ones((HID,), dtype=jnp.float32)
    ln_b = jnp.zeros((HID,), dtype=jnp.float32)
    # output Linear(HID -> OUT)
    W_lin = jax.random.normal(ks[5], (HID, OUT), dtype=jnp.float32) * 0.1
    b_lin = jnp.zeros((OUT,), dtype=jnp.float32)
    return {"x": x, "edge_attr": edge_attr, "edge_index": edge_index,
            "W1": W1, "b1": b1, "W_root": W_root, "b_conv": b_conv,
            "ln_g": ln_g, "ln_b": ln_b, "W_lin": W_lin, "b_lin": b_lin}


def reference(x, edge_attr, edge_index, W1, b1, W_root, b_conv, ln_g, ln_b, W_lin, b_lin):
    src = edge_index[0]
    dst = edge_index[1]
    # edge_nn: per-edge weight matrix h_Theta(e_ij) in R^{IN x HID}
    ew = jax.nn.relu(edge_attr @ W1 + b1).reshape(-1, IN, HID)
    # gather source node features and form messages x_j @ W_e
    xj = jnp.take(x, src, axis=0)
    msg = jnp.einsum('ei,eih->eh', xj, ew)
    # scatter-add aggregation onto destination nodes (NNConv aggr='add')
    agg = jnp.zeros((N, HID), dtype=x.dtype).at[dst].add(msg)
    # root transform + bias
    h = x @ W_root + agg + b_conv
    # LayerNorm over last dim (eps=1e-5)
    mu = jnp.mean(h, axis=-1, keepdims=True)
    var = jnp.var(h, axis=-1, keepdims=True)
    h = (h - mu) / jnp.sqrt(var + 1e-5) * ln_g + ln_b
    h = jax.nn.relu(h)
    out = h @ W_lin + b_lin
    return out

if __name__ == "__main__":
    import jax
    _d = setup_inputs()
    print(jax.jit(kernel)(*tuple(_d.values())))

</pallas_src>

<mosaic_0001>
#map = affine_map<(d0, d1) -> (0)>
#map1 = affine_map<(d0, d1) -> (0, 0)>
module attributes {stable_mosaic.version = 14 : i64} {
  func.func @body(%arg0: i32, %arg1: i32, %arg2: memref<1280000xf32, #tpu.memory_space<hbm>>, %arg3: memref<160000xi32, #tpu.memory_space<hbm>>, %arg4: memref<32x80000xf32, #tpu.memory_space<hbm>>, %arg5: memref<5000xi32, #tpu.memory_space<vmem>>, %arg6: memref<40000xf32, #tpu.memory_space<vmem>>, %arg7: memref<80000xf32, #tpu.memory_space<vmem>>) attributes {dimension_semantics = [#tpu.dimension_semantics<core_parallel>, #tpu.dimension_semantics<subcore_parallel>], iteration_bounds = array<i64: 2, 16>, scalar_prefetch = 0 : i64, scratch_operands = 3 : i64, tpu.core_type = #tpu.core_type<sc_vector_subcore>, window_params = [{transform_indices = #map}, {transform_indices = #map}, {transform_indices = #map1}]} {
    %mul3A = arith.constant 2 : i32
    %mul3A_0 = arith.muli %arg1, %mul3A : i32
    %add3A = arith.addi %mul3A_0, %arg0 : i32
    %mul3A_1 = arith.constant 5000 : i32
    %mul3A_2 = arith.muli %add3A, %mul3A_1 : i32
    "tpu.region"() ({
      %run_scoped3A = tpu.sem_alloc : memref<!tpu.dma_semaphore, #tpu.memory_space<semaphore_mem>>
      %dma_start3A = tpu.memref_slice %arg3[%mul3A_2] : memref<160000xi32, #tpu.memory_space<hbm>> -> memref<5000xi32, #tpu.memory_space<hbm>>
      %dma_start3A_21 = tpu.memref_slice %arg3[%mul3A_2] : memref<160000xi32, #tpu.memory_space<hbm>> -> memref<5000xi32, #tpu.memory_space<hbm>>
      tpu.enqueue_dma source(%dma_start3A_21 : memref<5000xi32, #tpu.memory_space<hbm>>) target(%arg5 : memref<5000xi32, #tpu.memory_space<vmem>>) target_semaphore(%run_scoped3A : memref<!tpu.dma_semaphore, #tpu.memory_space<semaphore_mem>>)
      %dma_wait3A = tpu.memref_slice %arg3[%mul3A_2] : memref<160000xi32, #tpu.memory_space<hbm>> -> memref<5000xi32, #tpu.memory_space<hbm>>
      %dma_wait3A_22 = tpu.memref_slice %arg3[%mul3A_2] : memref<160000xi32, #tpu.memory_space<hbm>> -> memref<5000xi32, #tpu.memory_space<hbm>>
      tpu.wait_dma2 semaphore(%run_scoped3A : memref<!tpu.dma_semaphore, #tpu.memory_space<semaphore_mem>>) src(%dma_wait3A_22 : memref<5000xi32, #tpu.memory_space<hbm>>) dst(%arg5 : memref<5000xi32, #tpu.memory_space<vmem>>)
      tpu.yield
    }) : () -> ()
    %mul3A_3 = arith.constant 5000 : i32
    %mul3A_4 = arith.muli %add3A, %mul3A_3 : i32
    %mul3A_5 = arith.constant 8 : i32
    %mul3A_6 = arith.muli %mul3A_4, %mul3A_5 : i32
    "tpu.region"() ({
      %run_scoped3A = tpu.sem_alloc : memref<!tpu.dma_semaphore, #tpu.memory_space<semaphore_mem>>
      %dma_start3A = tpu.memref_slice %arg2[%mul3A_6] : memref<1280000xf32, #tpu.memory_space<hbm>> -> memref<40000xf32, #tpu.memory_space<hbm>>
      %dma_start3A_21 = tpu.memref_slice %arg2[%mul3A_6] : memref<1280000xf32, #tpu.memory_space<hbm>> -> memref<40000xf32, #tpu.memory_space<hbm>>
      tpu.enqueue_dma source(%dma_start3A_21 : memref<40000xf32, #tpu.memory_space<hbm>>) target(%arg6 : memref<40000xf32, #tpu.memory_space<vmem>>) target_semaphore(%run_scoped3A : memref<!tpu.dma_semaphore, #tpu.memory_space<semaphore_mem>>)
      %dma_wait3A = tpu.memref_slice %arg2[%mul3A_6] : memref<1280000xf32, #tpu.memory_space<hbm>> -> memref<40000xf32, #tpu.memory_space<hbm>>
      %dma_wait3A_22 = tpu.memref_slice %arg2[%mul3A_6] : memref<1280000xf32, #tpu.memory_space<hbm>> -> memref<40000xf32, #tpu.memory_space<hbm>>
      tpu.wait_dma2 semaphore(%run_scoped3A : memref<!tpu.dma_semaphore, #tpu.memory_space<semaphore_mem>>) src(%dma_wait3A_22 : memref<40000xf32, #tpu.memory_space<hbm>>) dst(%arg6 : memref<40000xf32, #tpu.memory_space<vmem>>)
      tpu.yield
    }) : () -> ()
    %broadcast_in_dim3A = arith.constant 0.000000e+00 : f32
    %broadcast_in_dim3A_7 = vector.broadcast %broadcast_in_dim3A : f32 to vector<16xf32>
    %scan3A = arith.constant 0 : i32
    %scan3A_8 = arith.constant 5000 : i32
    %scan3A_9 = arith.addi %scan3A, %scan3A_8 : i32
    %scan3A_10 = arith.constant 1 : i32
    scf.for %scan3A_21 = %scan3A to %scan3A_9 step %scan3A_10  : i32 {
      %mul3A_22 = arith.constant 1 : i32
      %mul3A_23 = arith.muli %scan3A_21, %mul3A_22 : i32
      %add3A_24 = arith.constant 0 : i32
      %add3A_25 = arith.addi %add3A_24, %mul3A_23 : i32
      %mul3A_26 = arith.constant 16 : i32
      %mul3A_27 = arith.muli %add3A_25, %mul3A_26 : i32
      %swap3A = arith.index_cast %mul3A_27 : i32 to index
      %swap3A_28 = tpu.vector_load %arg7[%swap3A] {strides = array<i32>} : memref<80000xf32, #tpu.memory_space<vmem>>, vector<16xf32>,
      tpu.vector_store %arg7[%swap3A], %broadcast_in_dim3A_7 {strides = array<i32>} : memref<80000xf32, #tpu.memory_space<vmem>>, vector<16xf32>,
    }
    %scan3A_11 = arith.constant 5000 : i32
    %iota3A = tpu.iota {dimensions = array<i32: 0>} : vector<16xi32>
    %shift_right_logical3A = arith.constant 3 : i32
    %shift_right_logical3A_12 = vector.broadcast %shift_right_logical3A : i32 to vector<16xi32>
    %shift_right_logical3A_13 = arith.shrui %iota3A, %shift_right_logical3A_12 : vector<16xi32>
    %and3A = arith.constant 7 : i32
    %and3A_14 = vector.broadcast %and3A : i32 to vector<16xi32>
    %and3A_15 = arith.andi %iota3A, %and3A_14 : vector<16xi32>
    %scan3A_16 = arith.constant 0 : i32
    %scan3A_17 = arith.constant 2500 : i32
    %scan3A_18 = arith.addi %scan3A_16, %scan3A_17 : i32
    %scan3A_19 = arith.constant 1 : i32
    scf.for %scan3A_21 = %scan3A_16 to %scan3A_18 step %scan3A_19  : i32 {
      %mul3A_22 = arith.constant 1 : i32
      %mul3A_23 = arith.muli %scan3A_21, %mul3A_22 : i32
      %add3A_24 = arith.constant 0 : i32
      %add3A_25 = arith.addi %add3A_24, %mul3A_23 : i32
      %mul3A_26 = arith.constant 2 : i32
      %mul3A_27 = arith.muli %add3A_25, %mul3A_26 : i32
      %add3A_28 = vector.broadcast %mul3A_27 : i32 to vector<16xi32>
      %add3A_29 = arith.addi %add3A_28, %shift_right_logical3A_13 : vector<16xi32>
      %gather3A = tpu.vector_load_idx %arg5[%add3A_29] : memref<5000xi32, #tpu.memory_space<vmem>>[vector<16xi32>], vector<16xi32>,
      %shift_left3A = arith.constant 3 : i32
      %shift_left3A_30 = vector.broadcast %shift_left3A : i32 to vector<16xi32>
      %shift_left3A_31 = arith.shli %gather3A, %shift_left3A_30 : vector<16xi32>
      %add3A_32 = arith.addi %shift_left3A_31, %and3A_15 : vector<16xi32>
      %mul3A_33 = arith.constant 16 : i32
      %mul3A_34 = arith.muli %add3A_25, %mul3A_33 : i32
      %get3A = arith.index_cast %mul3A_34 : i32 to index
      %get3A_35 = tpu.vector_load %arg6[%get3A] {strides = array<i32>} : memref<40000xf32, #tpu.memory_space<vmem>>, vector<16xf32>,
      tpu.vector_store_idx %arg7[%add3A_32], %get3A_35 {add = true} : memref<80000xf32, #tpu.memory_space<vmem>>[vector<16xi32>], vector<16xf32>,
    }
    %scan3A_20 = arith.constant 2500 : i32
    "tpu.region"() ({
      %run_scoped3A = tpu.sem_alloc : memref<!tpu.dma_semaphore, #tpu.memory_space<semaphore_mem>>
      %dma_start3A = arith.constant 0 : i32
      %dma_start3A_21 = tpu.memref_slice %arg4[%add3A, %dma_start3A] : memref<32x80000xf32, #tpu.memory_space<hbm>> -> memref<1x80000xf32, #tpu.memory_space<hbm>>
      %dma_start3A_22 = tpu.memref_squeeze %dma_start3A_21 : memref<1x80000xf32, #tpu.memory_space<hbm>> -> memref<80000xf32, #tpu.memory_space<hbm>>
      %dma_start3A_23 = arith.constant 0 : i32
      %dma_start3A_24 = tpu.memref_slice %arg4[%add3A, %dma_start3A_23] : memref<32x80000xf32, #tpu.memory_space<hbm>> -> memref<1x80000xf32, #tpu.memory_space<hbm>>
      %dma_start3A_25 = tpu.memref_squeeze %dma_start3A_24 : memref<1x80000xf32, #tpu.memory_space<hbm>> -> memref<80000xf32, #tpu.memory_space<hbm>>
      tpu.enqueue_dma source(%arg7 : memref<80000xf32, #tpu.memory_space<vmem>>) target(%dma_start3A_25 : memref<80000xf32, #tpu.memory_space<hbm>>) target_semaphore(%run_scoped3A : memref<!tpu.dma_semaphore, #tpu.memory_space<semaphore_mem>>)
      %dma_wait3A = arith.constant 0 : i32
      %dma_wait3A_26 = tpu.memref_slice %arg4[%add3A, %dma_wait3A] : memref<32x80000xf32, #tpu.memory_space<hbm>> -> memref<1x80000xf32, #tpu.memory_space<hbm>>
      %dma_wait3A_27 = tpu.memref_squeeze %dma_wait3A_26 : memref<1x80000xf32, #tpu.memory_space<hbm>> -> memref<80000xf32, #tpu.memory_space<hbm>>
      %dma_wait3A_28 = arith.constant 0 : i32
      %dma_wait3A_29 = tpu.memref_slice %arg4[%add3A, %dma_wait3A_28] : memref<32x80000xf32, #tpu.memory_space<hbm>> -> memref<1x80000xf32, #tpu.memory_space<hbm>>
      %dma_wait3A_30 = tpu.memref_squeeze %dma_wait3A_29 : memref<1x80000xf32, #tpu.memory_space<hbm>> -> memref<80000xf32, #tpu.memory_space<hbm>>
      tpu.wait_dma2 semaphore(%run_scoped3A : memref<!tpu.dma_semaphore, #tpu.memory_space<semaphore_mem>>) src(%arg7 : memref<80000xf32, #tpu.memory_space<vmem>>) dst(%dma_wait3A_30 : memref<80000xf32, #tpu.memory_space<hbm>>)
      tpu.yield
    }) : () -> ()
    return
  }
}

#map = affine_map<(d0, d1) -> (0, 0)>
#map1 = affine_map<(d0, d1) -> (0)>
module attributes {stable_mosaic.version = 14 : i64} {
  func.func @body(%arg0: i32, %arg1: i32, %arg2: memref<10000x128xi32, #tpu.memory_space<hbm>>, %arg3: memref<160000xi32, #tpu.memory_space<hbm>>, %arg4: memref<160000x128xi32, #tpu.memory_space<hbm>>, %arg5: memref<5000xi32, #tpu.memory_space<vmem>>, %arg6: memref<128x128xi32, #tpu.memory_space<vmem>>, %arg7: memref<8x128xi32, #tpu.memory_space<vmem>>) attributes {dimension_semantics = [#tpu.dimension_semantics<core_parallel>, #tpu.dimension_semantics<subcore_parallel>], iteration_bounds = array<i64: 2, 16>, scalar_prefetch = 0 : i64, scratch_operands = 3 : i64, tpu.core_type = #tpu.core_type<sc_vector_subcore>, window_params = [{transform_indices = #map}, {transform_indices = #map1}, {transform_indices = #map}]} {
    %mul3A = arith.constant 2 : i32
    %mul3A_0 = arith.muli %arg1, %mul3A : i32
    %add3A = arith.addi %mul3A_0, %arg0 : i32
    %mul3A_1 = arith.constant 5000 : i32
    %mul3A_2 = arith.muli %add3A, %mul3A_1 : i32
    "tpu.region"() ({
      %run_scoped3A = tpu.sem_alloc : memref<!tpu.dma_semaphore, #tpu.memory_space<semaphore_mem>>
      %dma_start3A = tpu.memref_slice %arg3[%mul3A_2] : memref<160000xi32, #tpu.memory_space<hbm>> -> memref<5000xi32, #tpu.memory_space<hbm>>
      %dma_start3A_9 = tpu.memref_slice %arg3[%mul3A_2] : memref<160000xi32, #tpu.memory_space<hbm>> -> memref<5000xi32, #tpu.memory_space<hbm>>
      tpu.enqueue_dma source(%dma_start3A_9 : memref<5000xi32, #tpu.memory_space<hbm>>) target(%arg5 : memref<5000xi32, #tpu.memory_space<vmem>>) target_semaphore(%run_scoped3A : memref<!tpu.dma_semaphore, #tpu.memory_space<semaphore_mem>>)
      %dma_wait3A = tpu.memref_slice %arg3[%mul3A_2] : memref<160000xi32, #tpu.memory_space<hbm>> -> memref<5000xi32, #tpu.memory_space<hbm>>
      %dma_wait3A_10 = tpu.memref_slice %arg3[%mul3A_2] : memref<160000xi32, #tpu.memory_space<hbm>> -> memref<5000xi32, #tpu.memory_space<hbm>>
      tpu.wait_dma2 semaphore(%run_scoped3A : memref<!tpu.dma_semaphore, #tpu.memory_space<semaphore_mem>>) src(%dma_wait3A_10 : memref<5000xi32, #tpu.memory_space<hbm>>) dst(%arg5 : memref<5000xi32, #tpu.memory_space<vmem>>)
      tpu.yield
    }) : () -> ()
    %scan3A = arith.constant 0 : i32
    %scan3A_3 = arith.constant 39 : i32
    %scan3A_4 = arith.addi %scan3A, %scan3A_3 : i32
    %scan3A_5 = arith.constant 1 : i32
    scf.for %scan3A_9 = %scan3A to %scan3A_4 step %scan3A_5  : i32 {
      %mul3A_10 = arith.constant 1 : i32
      %mul3A_11 = arith.muli %scan3A_9, %mul3A_10 : i32
      %add3A_12 = arith.constant 0 : i32
      %add3A_13 = arith.addi %add3A_12, %mul3A_11 : i32
      %mul3A_14 = arith.constant 128 : i32
      %mul3A_15 = arith.muli %add3A_13, %mul3A_14 : i32
      "tpu.region"() ({
        %run_scoped3A = tpu.sem_alloc : memref<!tpu.dma_semaphore, #tpu.memory_space<semaphore_mem>>
        %dma_start3A = tpu.memref_slice %arg5[%mul3A_15] : memref<5000xi32, #tpu.memory_space<vmem>> -> memref<128xi32, #tpu.memory_space<vmem>>
        %dma_start3A_19 = arith.constant 0 : i32
        %dma_start3A_20 = arith.constant 0 : i32
        %dma_start3A_21 = tpu.memref_slice %arg2[%dma_start3A_19, %dma_start3A_20] : memref<10000x128xi32, #tpu.memory_space<hbm>> -> memref<10000x128xi32, #tpu.memory_space<hbm>>
        tpu.enqueue_indirect_dma source(%dma_start3A_21 : memref<10000x128xi32, #tpu.memory_space<hbm>>) target(%arg6 : memref<128x128xi32, #tpu.memory_space<vmem>>) offsets(%dma_start3A : memref<128xi32, #tpu.memory_space<vmem>>) semaphore(%run_scoped3A : memref<!tpu.dma_semaphore, #tpu.memory_space<semaphore_mem>>)
        %dma_wait3A = tpu.memref_slice %arg5[%mul3A_15] : memref<5000xi32, #tpu.memory_space<vmem>> -> memref<128xi32, #tpu.memory_space<vmem>>
        %dma_wait3A_22 = arith.constant 0 : i32
        %dma_wait3A_23 = arith.constant 0 : i32
        %dma_wait3A_24 = tpu.memref_slice %arg2[%dma_wait3A_22, %dma_wait3A_23] : memref<10000x128xi32, #tpu.memory_space<hbm>> -> memref<10000x128xi32, #tpu.memory_space<hbm>>
        tpu.wait_indirect_dma semaphore(%run_scoped3A : memref<!tpu.dma_semaphore, #tpu.memory_space<semaphore_mem>>) src(%dma_wait3A_24 : memref<10000x128xi32, #tpu.memory_space<hbm>>) dst(%arg6 : memref<128x128xi32, #tpu.memory_space<vmem>>)
        tpu.yield
      }) : () -> ()
      %mul3A_16 = arith.constant 128 : i32
      %mul3A_17 = arith.muli %add3A_13, %mul3A_16 : i32
      %add3A_18 = arith.addi %mul3A_2, %mul3A_17 : i32
      "tpu.region"() ({
        %run_scoped3A = tpu.sem_alloc : memref<!tpu.dma_semaphore, #tpu.memory_space<semaphore_mem>>
        %dma_start3A = arith.constant 0 : i32
        %dma_start3A_19 = tpu.memref_slice %arg4[%add3A_18, %dma_start3A] : memref<160000x128xi32, #tpu.memory_space<hbm>> -> memref<128x128xi32, #tpu.memory_space<hbm>>
        %dma_start3A_20 = arith.constant 0 : i32
        %dma_start3A_21 = tpu.memref_slice %arg4[%add3A_18, %dma_start3A_20] : memref<160000x128xi32, #tpu.memory_space<hbm>> -> memref<128x128xi32, #tpu.memory_space<hbm>>
        tpu.enqueue_dma source(%arg6 : memref<128x128xi32, #tpu.memory_space<vmem>>) target(%dma_start3A_21 : memref<128x128xi32, #tpu.memory_space<hbm>>) target_semaphore(%run_scoped3A : memref<!tpu.dma_semaphore, #tpu.memory_space<semaphore_mem>>)
        %dma_wait3A = arith.constant 0 : i32
        %dma_wait3A_22 = tpu.memref_slice %arg4[%add3A_18, %dma_wait3A] : memref<160000x128xi32, #tpu.memory_space<hbm>> -> memref<128x128xi32, #tpu.memory_space<hbm>>
        %dma_wait3A_23 = arith.constant 0 : i32
        %dma_wait3A_24 = tpu.memref_slice %arg4[%add3A_18, %dma_wait3A_23] : memref<160000x128xi32, #tpu.memory_space<hbm>> -> memref<128x128xi32, #tpu.memory_space<hbm>>
        tpu.wait_dma2 semaphore(%run_scoped3A : memref<!tpu.dma_semaphore, #tpu.memory_space<semaphore_mem>>) src(%arg6 : memref<128x128xi32, #tpu.memory_space<vmem>>) dst(%dma_wait3A_24 : memref<128x128xi32, #tpu.memory_space<hbm>>)
        tpu.yield
      }) : () -> ()
    }
    %scan3A_6 = arith.constant 39 : i32
    "tpu.region"() ({
      %run_scoped3A = tpu.sem_alloc : memref<!tpu.dma_semaphore, #tpu.memory_space<semaphore_mem>>
      %dma_start3A = arith.constant 4992 : i32
      %dma_start3A_9 = tpu.memref_slice %arg5[%dma_start3A] : memref<5000xi32, #tpu.memory_space<vmem>> -> memref<8xi32, #tpu.memory_space<vmem>>
      %dma_start3A_10 = arith.constant 0 : i32
      %dma_start3A_11 = arith.constant 0 : i32
      %dma_start3A_12 = tpu.memref_slice %arg2[%dma_start3A_10, %dma_start3A_11] : memref<10000x128xi32, #tpu.memory_space<hbm>> -> memref<10000x128xi32, #tpu.memory_space<hbm>>
      tpu.enqueue_indirect_dma source(%dma_start3A_12 : memref<10000x128xi32, #tpu.memory_space<hbm>>) target(%arg7 : memref<8x128xi32, #tpu.memory_space<vmem>>) offsets(%dma_start3A_9 : memref<8xi32, #tpu.memory_space<vmem>>) semaphore(%run_scoped3A : memref<!tpu.dma_semaphore, #tpu.memory_space<semaphore_mem>>)
      %dma_wait3A = arith.constant 4992 : i32
      %dma_wait3A_13 = tpu.memref_slice %arg5[%dma_wait3A] : memref<5000xi32, #tpu.memory_space<vmem>> -> memref<8xi32, #tpu.memory_space<vmem>>
      %dma_wait3A_14 = arith.constant 0 : i32
      %dma_wait3A_15 = arith.constant 0 : i32
      %dma_wait3A_16 = tpu.memref_slice %arg2[%dma_wait3A_14, %dma_wait3A_15] : memref<10000x128xi32, #tpu.memory_space<hbm>> -> memref<10000x128xi32, #tpu.memory_space<hbm>>
      tpu.wait_indirect_dma semaphore(%run_scoped3A : memref<!tpu.dma_semaphore, #tpu.memory_space<semaphore_mem>>) src(%dma_wait3A_16 : memref<10000x128xi32, #tpu.memory_space<hbm>>) dst(%arg7 : memref<8x128xi32, #tpu.memory_space<vmem>>)
      tpu.yield
    }) : () -> ()
    %add3A_7 = arith.constant 4992 : i32
    %add3A_8 = arith.addi %mul3A_2, %add3A_7 : i32
    "tpu.region"() ({
      %run_scoped3A = tpu.sem_alloc : memref<!tpu.dma_semaphore, #tpu.memory_space<semaphore_mem>>
      %dma_start3A = arith.constant 0 : i32
      %dma_start3A_9 = tpu.memref_slice %arg4[%add3A_8, %dma_start3A] : memref<160000x128xi32, #tpu.memory_space<hbm>> -> memref<8x128xi32, #tpu.memory_space<hbm>>
      %dma_start3A_10 = arith.constant 0 : i32
      %dma_start3A_11 = tpu.memref_slice %arg4[%add3A_8, %dma_start3A_10] : memref<160000x128xi32, #tpu.memory_space<hbm>> -> memref<8x128xi32, #tpu.memory_space<hbm>>
      tpu.enqueue_dma source(%arg7 : memref<8x128xi32, #tpu.memory_space<vmem>>) target(%dma_start3A_11 : memref<8x128xi32, #tpu.memory_space<hbm>>) target_semaphore(%run_scoped3A : memref<!tpu.dma_semaphore, #tpu.memory_space<semaphore_mem>>)
      %dma_wait3A = arith.constant 0 : i32
      %dma_wait3A_12 = tpu.memref_slice %arg4[%add3A_8, %dma_wait3A] : memref<160000x128xi32, #tpu.memory_space<hbm>> -> memref<8x128xi32, #tpu.memory_space<hbm>>
      %dma_wait3A_13 = arith.constant 0 : i32
      %dma_wait3A_14 = tpu.memref_slice %arg4[%add3A_8, %dma_wait3A_13] : memref<160000x128xi32, #tpu.memory_space<hbm>> -> memref<8x128xi32, #tpu.memory_space<hbm>>
      tpu.wait_dma2 semaphore(%run_scoped3A : memref<!tpu.dma_semaphore, #tpu.memory_space<semaphore_mem>>) src(%arg7 : memref<8x128xi32, #tpu.memory_space<vmem>>) dst(%dma_wait3A_14 : memref<8x128xi32, #tpu.memory_space<hbm>>)
      tpu.yield
    }) : () -> ()
    return
  }
}

module attributes {stable_mosaic.version = 14 : i64} {
  func.func @_msg_body(%arg0: i32, %arg1: memref<1280x16xf32, #tpu.memory_space<vmem>>, %arg2: memref<1280x128xf32, #tpu.memory_space<vmem>>, %arg3: memref<8x16x128xf32, #tpu.memory_space<vmem>>, %arg4: memref<8x128xf32, #tpu.memory_space<vmem>>, %arg5: memref<1280x8xf32, #tpu.memory_space<vmem>>) attributes {dimension_semantics = [#tpu.dimension_semantics<arbitrary>], iteration_bounds = array<i64: 125>, scalar_prefetch = 0 : i64, scratch_operands = 0 : i64, tpu.core_type = #tpu.core_type<tc>, window_params = [{transform_indices = @transform_0, window_bounds = array<i64: 1280, 16>}, {transform_indices = @transform_1, window_bounds = array<i64: 1280, 128>}, {pipeline_mode = #tpu.pipeline_mode<synchronous>, transform_indices = @transform_2, window_bounds = array<i64: 8, 16, 128>}, {pipeline_mode = #tpu.pipeline_mode<synchronous>, transform_indices = @transform_3, window_bounds = array<i64: 8, 128>}, {transform_indices = @transform_4, window_bounds = array<i64: 1280, 8>}]} {
    %get3A = arith.constant 0 : index
    %get3A_0 = arith.constant 0 : index
    %get3A_1 = vector.load %arg1[%get3A, %get3A_0] : memref<1280x16xf32, #tpu.memory_space<vmem>>, vector<1280x16xf32>
    %get3A_2 = arith.constant 0 : index
    %get3A_3 = arith.constant 0 : index
    %get3A_4 = vector.load %arg2[%get3A_2, %get3A_3] : memref<1280x128xf32, #tpu.memory_space<vmem>>, vector<1280x128xf32>
    %get3A_5 = arith.constant 0 : index
    %get3A_6 = arith.constant 0 : index
    %get3A_7 = arith.constant 0 : index
    %get3A_8 = vector.load %arg3[%get3A_5, %get3A_6, %get3A_7] : memref<8x16x128xf32, #tpu.memory_space<vmem>>, vector<1x16x128xf32>
    %get3A_9 = vector.shape_cast %get3A_8 : vector<1x16x128xf32> to vector<16x128xf32>
    %dot_general3A = arith.constant dense<0.000000e+00> : vector<1280x128xf32>
    %dot_general3A_10 = tpu.matmul %get3A_1, %get3A_9, %dot_general3A {dimension_numbers = #tpu.dot_dimension_numbers<[1], [0], [0], [1], [0, 0, 1, 1], [], []>, transpose_lhs_hint = false} : vector<1280x16xf32>, vector<16x128xf32>, vector<1280x128xf32> -> vector<1280x128xf32>
    %get3A_11 = arith.constant 0 : index
    %get3A_12 = arith.constant 0 : index
    %get3A_13 = vector.load %arg4[%get3A_11, %get3A_12] : memref<8x128xf32, #tpu.memory_space<vmem>>, vector<1x128xf32>
    %get3A_14 = vector.shape_cast %get3A_13 : vector<1x128xf32> to vector<128xf32>
    %broadcast_in_dim3A = vector.shape_cast %get3A_14 : vector<128xf32> to vector<1x128xf32>
    %add3A = vector.broadcast %broadcast_in_dim3A : vector<1x128xf32> to vector<1280x128xf32>
    %add3A_15 = arith.addf %dot_general3A_10, %add3A : vector<1280x128xf32>
    %max3A = arith.constant 0.000000e+00 : f32
    %max3A_16 = vector.broadcast %max3A : f32 to vector<1280x128xf32>
    %max3A_17 = arith.maximumf %add3A_15, %max3A_16 : vector<1280x128xf32>
    %mul3A = arith.mulf %get3A_4, %max3A_17 : vector<1280x128xf32>
    %reduce_sum3A = arith.constant dense<0.000000e+00> : vector<1280xf32>
    %reduce_sum3A_18 = vector.multi_reduction <add>, %mul3A, %reduce_sum3A [1] : vector<1280x128xf32> to vector<1280xf32>
    %broadcast_in_dim3A_19 = vector.shape_cast %reduce_sum3A_18 : vector<1280xf32> to vector<1280x1xf32>
    %get3A_20 = arith.constant 1 : index
    %get3A_21 = arith.constant 0 : index
    %get3A_22 = arith.constant 0 : index
    %get3A_23 = vector.load %arg3[%get3A_20, %get3A_21, %get3A_22] : memref<8x16x128xf32, #tpu.memory_space<vmem>>, vector<1x16x128xf32>
    %get3A_24 = vector.shape_cast %get3A_23 : vector<1x16x128xf32> to vector<16x128xf32>
    %dot_general3A_25 = arith.constant dense<0.000000e+00> : vector<1280x128xf32>
    %dot_general3A_26 = tpu.matmul %get3A_1, %get3A_24, %dot_general3A_25 {dimension_numbers = #tpu.dot_dimension_numbers<[1], [0], [0], [1], [0, 0, 1, 1], [], []>, transpose_lhs_hint = false} : vector<1280x16xf32>, vector<16x128xf32>, vector<1280x128xf32> -> vector<1280x128xf32>
    %get3A_27 = arith.constant 1 : index
    %get3A_28 = arith.constant 0 : index
    %get3A_29 = vector.load %arg4[%get3A_27, %get3A_28] : memref<8x128xf32, #tpu.memory_space<vmem>>, vector<1x128xf32>
    %get3A_30 = vector.shape_cast %get3A_29 : vector<1x128xf32> to vector<128xf32>
    %broadcast_in_dim3A_31 = vector.shape_cast %get3A_30 : vector<128xf32> to vector<1x128xf32>
    %add3A_32 = vector.broadcast %broadcast_in_dim3A_31 : vector<1x128xf32> to vector<1280x128xf32>
    %add3A_33 = arith.addf %dot_general3A_26, %add3A_32 : vector<1280x128xf32>
    %max3A_34 = arith.constant 0.000000e+00 : f32
    %max3A_35 = vector.broadcast %max3A_34 : f32 to vector<1280x128xf32>
    %max3A_36 = arith.maximumf %add3A_33, %max3A_35 : vector<1280x128xf32>
    %mul3A_37 = arith.mulf %get3A_4, %max3A_36 : vector<1280x128xf32>
    %reduce_sum3A_38 = arith.constant dense<0.000000e+00> : vector<1280xf32>
    %reduce_sum3A_39 = vector.multi_reduction <add>, %mul3A_37, %reduce_sum3A_38 [1] : vector<1280x128xf32> to vector<1280xf32>
    %broadcast_in_dim3A_40 = vector.shape_cast %reduce_sum3A_39 : vector<1280xf32> to vector<1280x1xf32>
    %get3A_41 = arith.constant 2 : index
    %get3A_42 = arith.constant 0 : index
    %get3A_43 = arith.constant 0 : index
    %get3A_44 = vector.load %arg3[%get3A_41, %get3A_42, %get3A_43] : memref<8x16x128xf32, #tpu.memory_space<vmem>>, vector<1x16x128xf32>
    %get3A_45 = vector.shape_cast %get3A_44 : vector<1x16x128xf32> to vector<16x128xf32>
    %dot_general3A_46 = arith.constant dense<0.000000e+00> : vector<1280x128xf32>
    %dot_general3A_47 = tpu.matmul %get3A_1, %get3A_45, %dot_general3A_46 {dimension_numbers = #tpu.dot_dimension_numbers<[1], [0], [0], [1], [0, 0, 1, 1], [], []>, transpose_lhs_hint = false} : vector<1280x16xf32>, vector<16x128xf32>, vector<1280x128xf32> -> vector<1280x128xf32>
    %get3A_48 = arith.constant 2 : index
    %get3A_49 = arith.constant 0 : index
    %get3A_50 = vector.load %arg4[%get3A_48, %get3A_49] : memref<8x128xf32, #tpu.memory_space<vmem>>, vector<1x128xf32>
    %get3A_51 = vector.shape_cast %get3A_50 : vector<1x128xf32> to vector<128xf32>
    %broadcast_in_dim3A_52 = vector.shape_cast %get3A_51 : vector<128xf32> to vector<1x128xf32>
    %add3A_53 = vector.broadcast %broadcast_in_dim3A_52 : vector<1x128xf32> to vector<1280x128xf32>
    %add3A_54 = arith.addf %dot_general3A_47, %add3A_53 : vector<1280x128xf32>
    %max3A_55 = arith.constant 0.000000e+00 : f32
    %max3A_56 = vector.broadcast %max3A_55 : f32 to vector<1280x128xf32>
    %max3A_57 = arith.maximumf %add3A_54, %max3A_56 : vector<1280x128xf32>
    %mul3A_58 = arith.mulf %get3A_4, %max3A_57 : vector<1280x128xf32>
    %reduce_sum3A_59 = arith.constant dense<0.000000e+00> : vector<1280xf32>
    %reduce_sum3A_60 = vector.multi_reduction <add>, %mul3A_58, %reduce_sum3A_59 [1] : vector<1280x128xf32> to vector<1280xf32>
    %broadcast_in_dim3A_61 = vector.shape_cast %reduce_sum3A_60 : vector<1280xf32> to vector<1280x1xf32>
    %get3A_62 = arith.constant 3 : index
    %get3A_63 = arith.constant 0 : index
    %get3A_64 = arith.constant 0 : index
    %get3A_65 = vector.load %arg3[%get3A_62, %get3A_63, %get3A_64] : memref<8x16x128xf32, #tpu.memory_space<vmem>>, vector<1x16x128xf32>
    %get3A_66 = vector.shape_cast %get3A_65 : vector<1x16x128xf32> to vector<16x128xf32>
    %dot_general3A_67 = arith.constant dense<0.000000e+00> : vector<1280x128xf32>
    %dot_general3A_68 = tpu.matmul %get3A_1, %get3A_66, %dot_general3A_67 {dimension_numbers = #tpu.dot_dimension_numbers<[1], [0], [0], [1], [0, 0, 1, 1], [], []>, transpose_lhs_hint = false} : vector<1280x16xf32>, vector<16x128xf32>, vector<1280x128xf32> -> vector<1280x128xf32>
    %get3A_69 = arith.constant 3 : index
    %get3A_70 = arith.constant 0 : index
    %get3A_71 = vector.load %arg4[%get3A_69, %get3A_70] : memref<8x128xf32, #tpu.memory_space<vmem>>, vector<1x128xf32>
    %get3A_72 = vector.shape_cast %get3A_71 : vector<1x128xf32> to vector<128xf32>
    %broadcast_in_dim3A_73 = vector.shape_cast %get3A_72 : vector<128xf32> to vector<1x128xf32>
    %add3A_74 = vector.broadcast %broadcast_in_dim3A_73 : vector<1x128xf32> to vector<1280x128xf32>
    %add3A_75 = arith.addf %dot_general3A_68, %add3A_74 : vector<1280x128xf32>
    %max3A_76 = arith.constant 0.000000e+00 : f32
    %max3A_77 = vector.broadcast %max3A_76 : f32 to vector<1280x128xf32>
    %max3A_78 = arith.maximumf %add3A_75, %max3A_77 : vector<1280x128xf32>
    %mul3A_79 = arith.mulf %get3A_4, %max3A_78 : vector<1280x128xf32>
    %reduce_sum3A_80 = arith.constant dense<0.000000e+00> : vector<1280xf32>
    %reduce_sum3A_81 = vector.multi_reduction <add>, %mul3A_79, %reduce_sum3A_80 [1] : vector<1280x128xf32> to vector<1280xf32>
    %broadcast_in_dim3A_82 = vector.shape_cast %reduce_sum3A_81 : vector<1280xf32> to vector<1280x1xf32>
    %get3A_83 = arith.constant 4 : index
    %get3A_84 = arith.constant 0 : index
    %get3A_85 = arith.constant 0 : index
    %get3A_86 = vector.load %arg3[%get3A_83, %get3A_84, %get3A_85] : memref<8x16x128xf32, #tpu.memory_space<vmem>>, vector<1x16x128xf32>
    %get3A_87 = vector.shape_cast %get3A_86 : vector<1x16x128xf32> to vector<16x128xf32>
    %dot_general3A_88 = arith.constant dense<0.000000e+00> : vector<1280x128xf32>
    %dot_general3A_89 = tpu.matmul %get3A_1, %get3A_87, %dot_general3A_88 {dimension_numbers = #tpu.dot_dimension_numbers<[1], [0], [0], [1], [0, 0, 1, 1], [], []>, transpose_lhs_hint = false} : vector<1280x16xf32>, vector<16x128xf32>, vector<1280x128xf32> -> vector<1280x128xf32>
    %get3A_90 = arith.constant 4 : index
    %get3A_91 = arith.constant 0 : index
    %get3A_92 = vector.load %arg4[%get3A_90, %get3A_91] : memref<8x128xf32, #tpu.memory_space<vmem>>, vector<1x128xf32>
    %get3A_93 = vector.shape_cast %get3A_92 : vector<1x128xf32> to vector<128xf32>
    %broadcast_in_dim3A_94 = vector.shape_cast %get3A_93 : vector<128xf32> to vector<1x128xf32>
    %add3A_95 = vector.broadcast %broadcast_in_dim3A_94 : vector<1x128xf32> to vector<1280x128xf32>
    %add3A_96 = arith.addf %dot_general3A_89, %add3A_95 : vector<1280x128xf32>
    %max3A_97 = arith.constant 0.000000e+00 : f32
    %max3A_98 = vector.broadcast %max3A_97 : f32 to vector<1280x128xf32>
    %max3A_99 = arith.maximumf %add3A_96, %max3A_98 : vector<1280x128xf32>
    %mul3A_100 = arith.mulf %get3A_4, %max3A_99 : vector<1280x128xf32>
    %reduce_sum3A_101 = arith.constant dense<0.000000e+00> : vector<1280xf32>
    %reduce_sum3A_102 = vector.multi_reduction <add>, %mul3A_100, %reduce_sum3A_101 [1] : vector<1280x128xf32> to vector<1280xf32>
    %broadcast_in_dim3A_103 = vector.shape_cast %reduce_sum3A_102 : vector<1280xf32> to vector<1280x1xf32>
    %get3A_104 = arith.constant 5 : index
    %get3A_105 = arith.constant 0 : index
    %get3A_106 = arith.constant 0 : index
    %get3A_107 = vector.load %arg3[%get3A_104, %get3A_105, %get3A_106] : memref<8x16x128xf32, #tpu.memory_space<vmem>>, vector<1x16x128xf32>
    %get3A_108 = vector.shape_cast %get3A_107 : vector<1x16x128xf32> to vector<16x128xf32>
    %dot_general3A_109 = arith.constant dense<0.000000e+00> : vector<1280x128xf32>
    %dot_general3A_110 = tpu.matmul %get3A_1, %get3A_108, %dot_general3A_109 {dimension_numbers = #tpu.dot_dimension_numbers<[1], [0], [0], [1], [0, 0, 1, 1], [], []>, transpose_lhs_hint = false} : vector<1280x16xf32>, vector<16x128xf32>, vector<1280x128xf32> -> vector<1280x128xf32>
    %get3A_111 = arith.constant 5 : index
    %get3A_112 = arith.constant 0 : index
    %get3A_113 = vector.load %arg4[%get3A_111, %get3A_112] : memref<8x128xf32, #tpu.memory_space<vmem>>, vector<1x128xf32>
    %get3A_114 = vector.shape_cast %get3A_113 : vector<1x128xf32> to vector<128xf32>
    %broadcast_in_dim3A_115 = vector.shape_cast %get3A_114 : vector<128xf32> to vector<1x128xf32>
    %add3A_116 = vector.broadcast %broadcast_in_dim3A_115 : vector<1x128xf32> to vector<1280x128xf32>
    %add3A_117 = arith.addf %dot_general3A_110, %add3A_116 : vector<1280x128xf32>
    %max3A_118 = arith.constant 0.000000e+00 : f32
    %max3A_119 = vector.broadcast %max3A_118 : f32 to vector<1280x128xf32>
    %max3A_120 = arith.maximumf %add3A_117, %max3A_119 : vector<1280x128xf32>
    %mul3A_121 = arith.mulf %get3A_4, %max3A_120 : vector<1280x128xf32>
    %reduce_sum3A_122 = arith.constant dense<0.000000e+00> : vector<1280xf32>
    %reduce_sum3A_123 = vector.multi_reduction <add>, %mul3A_121, %reduce_sum3A_122 [1] : vector<1280x128xf32> to vector<1280xf32>
    %broadcast_in_dim3A_124 = vector.shape_cast %reduce_sum3A_123 : vector<1280xf32> to vector<1280x1xf32>
    %get3A_125 = arith.constant 6 : index
    %get3A_126 = arith.constant 0 : index
    %get3A_127 = arith.constant 0 : index
    %get3A_128 = vector.load %arg3[%get3A_125, %get3A_126, %get3A_127] : memref<8x16x128xf32, #tpu.memory_space<vmem>>, vector<1x16x128xf32>
    %get3A_129 = vector.shape_cast %get3A_128 : vector<1x16x128xf32> to vector<16x128xf32>
    %dot_general3A_130 = arith.constant dense<0.000000e+00> : vector<1280x128xf32>
    %dot_general3A_131 = tpu.matmul %get3A_1, %get3A_129, %dot_general3A_130 {dimension_numbers = #tpu.dot_dimension_numbers<[1], [0], [0], [1], [0, 0, 1, 1], [], []>, transpose_lhs_hint = false} : vector<1280x16xf32>, vector<16x128xf32>, vector<1280x128xf32> -> vector<1280x128xf32>
    %get3A_132 = arith.constant 6 : index
    %get3A_133 = arith.constant 0 : index
    %get3A_134 = vector.load %arg4[%get3A_132, %get3A_133] : memref<8x128xf32, #tpu.memory_space<vmem>>, vector<1x128xf32>
    %get3A_135 = vector.shape_cast %get3A_134 : vector<1x128xf32> to vector<128xf32>
    %broadcast_in_dim3A_136 = vector.shape_cast %get3A_135 : vector<128xf32> to vector<1x128xf32>
    %add3A_137 = vector.broadcast %broadcast_in_dim3A_136 : vector<1x128xf32> to vector<1280x128xf32>
    %add3A_138 = arith.addf %dot_general3A_131, %add3A_137 : vector<1280x128xf32>
    %max3A_139 = arith.constant 0.000000e+00 : f32
    %max3A_140 = vector.broadcast %max3A_139 : f32 to vector<1280x128xf32>
    %max3A_141 = arith.maximumf %add3A_138, %max3A_140 : vector<1280x128xf32>
    %mul3A_142 = arith.mulf %get3A_4, %max3A_141 : vector<1280x128xf32>
    %reduce_sum3A_143 = arith.constant dense<0.000000e+00> : vector<1280xf32>
    %reduce_sum3A_144 = vector.multi_reduction <add>, %mul3A_142, %reduce_sum3A_143 [1] : vector<1280x128xf32> to vector<1280xf32>
    %broadcast_in_dim3A_145 = vector.shape_cast %reduce_sum3A_144 : vector<1280xf32> to vector<1280x1xf32>
    %get3A_146 = arith.constant 7 : index
    %get3A_147 = arith.constant 0 : index
    %get3A_148 = arith.constant 0 : index
    %get3A_149 = vector.load %arg3[%get3A_146, %get3A_147, %get3A_148] : memref<8x16x128xf32, #tpu.memory_space<vmem>>, vector<1x16x128xf32>
    %get3A_150 = vector.shape_cast %get3A_149 : vector<1x16x128xf32> to vector<16x128xf32>
    %dot_general3A_151 = arith.constant dense<0.000000e+00> : vector<1280x128xf32>
    %dot_general3A_152 = tpu.matmul %get3A_1, %get3A_150, %dot_general3A_151 {dimension_numbers = #tpu.dot_dimension_numbers<[1], [0], [0], [1], [0, 0, 1, 1], [], []>, transpose_lhs_hint = false} : vector<1280x16xf32>, vector<16x128xf32>, vector<1280x128xf32> -> vector<1280x128xf32>
    %get3A_153 = arith.constant 7 : index
    %get3A_154 = arith.constant 0 : index
    %get3A_155 = vector.load %arg4[%get3A_153, %get3A_154] : memref<8x128xf32, #tpu.memory_space<vmem>>, vector<1x128xf32>
    %get3A_156 = vector.shape_cast %get3A_155 : vector<1x128xf32> to vector<128xf32>
    %broadcast_in_dim3A_157 = vector.shape_cast %get3A_156 : vector<128xf32> to vector<1x128xf32>
    %add3A_158 = vector.broadcast %broadcast_in_dim3A_157 : vector<1x128xf32> to vector<1280x128xf32>
    %add3A_159 = arith.addf %dot_general3A_152, %add3A_158 : vector<1280x128xf32>
    %max3A_160 = arith.constant 0.000000e+00 : f32
    %max3A_161 = vector.broadcast %max3A_160 : f32 to vector<1280x128xf32>
    %max3A_162 = arith.maximumf %add3A_159, %max3A_161 : vector<1280x128xf32>
    %mul3A_163 = arith.mulf %get3A_4, %max3A_162 : vector<1280x128xf32>
    %reduce_sum3A_164 = arith.constant dense<0.000000e+00> : vector<1280xf32>
    %reduce_sum3A_165 = vector.multi_reduction <add>, %mul3A_163, %reduce_sum3A_164 [1] : vector<1280x128xf32> to vector<1280xf32>
    %broadcast_in_dim3A_166 = vector.shape_cast %reduce_sum3A_165 : vector<1280xf32> to vector<1280x1xf32>
    %concatenate3A = tpu.concatenate %broadcast_in_dim3A_19, %broadcast_in_dim3A_40, %broadcast_in_dim3A_61, %broadcast_in_dim3A_82, %broadcast_in_dim3A_103, %broadcast_in_dim3A_124, %broadcast_in_dim3A_145, %broadcast_in_dim3A_166 in 1 : vector<1280x1xf32>, vector<1280x1xf32>, vector<1280x1xf32>, vector<1280x1xf32>, vector<1280x1xf32>, vector<1280x1xf32>, vector<1280x1xf32>, vector<1280x1xf32> -> vector<1280x8xf32>
    %swap3A = arith.constant 0 : index
    %swap3A_167 = arith.constant 0 : index
    %swap3A_168 = vector.load %arg5[%swap3A, %swap3A_167] : memref<1280x8xf32, #tpu.memory_space<vmem>>, vector<1280x8xf32>
    tpu.vector_store %arg5[%swap3A, %swap3A_167], %concatenate3A {strides = array<i32>} : memref<1280x8xf32, #tpu.memory_space<vmem>>, vector<1280x8xf32>,
    return
  }
  func.func @transform_0(%arg0: i32) -> (i32, i32) {
    %c0_i32 = arith.constant 0 : i32
    %c0_i32_0 = arith.constant 0 : i32
    return %arg0, %c0_i32 : i32, i32
  }
  func.func @transform_1(%arg0: i32) -> (i32, i32) {
    %c0_i32 = arith.constant 0 : i32
    %c0_i32_0 = arith.constant 0 : i32
    return %arg0, %c0_i32 : i32, i32
  }
  func.func @transform_2(%arg0: i32) -> (i32, i32, i32) {
    %c0_i32 = arith.constant 0 : i32
    %c0_i32_0 = arith.constant 0 : i32
    %c0_i32_1 = arith.constant 0 : i32
    %c0_i32_2 = arith.constant 0 : i32
    return %c0_i32, %c0_i32_0, %c0_i32_1 : i32, i32, i32
  }
  func.func @transform_3(%arg0: i32) -> (i32, i32) {
    %c0_i32 = arith.constant 0 : i32
    %c0_i32_0 = arith.constant 0 : i32
    %c0_i32_1 = arith.constant 0 : i32
    return %c0_i32, %c0_i32_0 : i32, i32
  }
  func.func @transform_4(%arg0: i32) -> (i32, i32) {
    %c0_i32 = arith.constant 0 : i32
    %c0_i32_0 = arith.constant 0 : i32
    return %arg0, %c0_i32 : i32, i32
  }
}

module attributes {stable_mosaic.version = 14 : i64} {
  func.func @_reduce_body(%arg0: i32, %arg1: memref<32x625x128xf32, #tpu.memory_space<vmem>>, %arg2: memref<625x128xf32, #tpu.memory_space<vmem>>) attributes {dimension_semantics = [#tpu.dimension_semantics<arbitrary>], iteration_bounds = array<i64: 1>, scalar_prefetch = 0 : i64, scratch_operands = 0 : i64, tpu.core_type = #tpu.core_type<tc>, window_params = [{pipeline_mode = #tpu.pipeline_mode<synchronous>, transform_indices = @transform_0, window_bounds = array<i64: 32, 625, 128>}, {pipeline_mode = #tpu.pipeline_mode<synchronous>, transform_indices = @transform_1, window_bounds = array<i64: 625, 128>}]} {
    %get3A = arith.constant 0 : index
    %get3A_0 = arith.constant 0 : index
    %get3A_1 = arith.constant 0 : index
    %get3A_2 = vector.load %arg1[%get3A, %get3A_0, %get3A_1] : memref<32x625x128xf32, #tpu.memory_space<vmem>>, vector<32x625x128xf32>
    %reduce_sum3A = arith.constant dense<0.000000e+00> : vector<625x128xf32>
    %reduce_sum3A_3 = vector.multi_reduction <add>, %get3A_2, %reduce_sum3A [0] : vector<32x625x128xf32> to vector<625x128xf32>
    %swap3A = arith.constant 0 : index
    %swap3A_4 = arith.constant 0 : index
    %swap3A_5 = vector.load %arg2[%swap3A, %swap3A_4] : memref<625x128xf32, #tpu.memory_space<vmem>>, vector<625x128xf32>
    tpu.vector_store %arg2[%swap3A, %swap3A_4], %reduce_sum3A_3 {strides = array<i32>} : memref<625x128xf32, #tpu.memory_space<vmem>>, vector<625x128xf32>,
    return
  }
  func.func @transform_0(%arg0: i32) -> (i32, i32, i32) {
    %c0_i32 = arith.constant 0 : i32
    %c0_i32_0 = arith.constant 0 : i32
    %c0_i32_1 = arith.constant 0 : i32
    %c0_i32_2 = arith.constant 0 : i32
    return %c0_i32, %c0_i32_0, %c0_i32_1 : i32, i32, i32
  }
  func.func @transform_1(%arg0: i32) -> (i32, i32) {
    %c0_i32 = arith.constant 0 : i32
    %c0_i32_0 = arith.constant 0 : i32
    %c0_i32_1 = arith.constant 0 : i32
    return %c0_i32, %c0_i32_0 : i32, i32
  }
}

module attributes {stable_mosaic.version = 14 : i64} {
  func.func @_node_body(%arg0: i32, %arg1: memref<2000x128xf32, #tpu.memory_space<vmem>>, %arg2: memref<2000x8xf32, #tpu.memory_space<vmem>>, %arg3: memref<128x8xf32, #tpu.memory_space<vmem>>, %arg4: memref<1x8xf32, #tpu.memory_space<vmem>>, %arg5: memref<1x8xf32, #tpu.memory_space<vmem>>, %arg6: memref<1x8xf32, #tpu.memory_space<vmem>>, %arg7: memref<8x128xf32, #tpu.memory_space<vmem>>, %arg8: memref<1x128xf32, #tpu.memory_space<vmem>>, %arg9: memref<2000x128xf32, #tpu.memory_space<vmem>>) attributes {dimension_semantics = [#tpu.dimension_semantics<arbitrary>], iteration_bounds = array<i64: 5>, scalar_prefetch = 0 : i64, scratch_operands = 0 : i64, tpu.core_type = #tpu.core_type<tc>, window_params = [{transform_indices = @transform_0, window_bounds = array<i64: 2000, 128>}, {transform_indices = @transform_1, window_bounds = array<i64: 2000, 8>}, {pipeline_mode = #tpu.pipeline_mode<synchronous>, transform_indices = @transform_2, window_bounds = array<i64: 128, 8>}, {pipeline_mode = #tpu.pipeline_mode<synchronous>, transform_indices = @transform_3, window_bounds = array<i64: 1, 8>}, {pipeline_mode = #tpu.pipeline_mode<synchronous>, transform_indices = @transform_4, window_bounds = array<i64: 1, 8>}, {pipeline_mode = #tpu.pipeline_mode<synchronous>, transform_indices = @transform_5, window_bounds = array<i64: 1, 8>}, {pipeline_mode = #tpu.pipeline_mode<synchronous>, transform_indices = @transform_6, window_bounds = array<i64: 8, 128>}, {pipeline_mode = #tpu.pipeline_mode<synchronous>, transform_indices = @transform_7, window_bounds = array<i64: 1, 128>}, {transform_indices = @transform_8, window_bounds = array<i64: 2000, 128>}]} {
    %get3A = arith.constant 0 : index
    %get3A_0 = arith.constant 0 : index
    %get3A_1 = vector.load %arg1[%get3A, %get3A_0] : memref<2000x128xf32, #tpu.memory_space<vmem>>, vector<2000x128xf32>
    %get3A_2 = arith.constant 0 : index
    %get3A_3 = arith.constant 0 : index
    %get3A_4 = vector.load %arg2[%get3A_2, %get3A_3] : memref<2000x8xf32, #tpu.memory_space<vmem>>, vector<2000x8xf32>
    %get3A_5 = arith.constant 0 : index
    %get3A_6 = arith.constant 0 : index
    %get3A_7 = vector.load %arg3[%get3A_5, %get3A_6] : memref<128x8xf32, #tpu.memory_space<vmem>>, vector<128x8xf32>
    %dot_general3A = arith.constant dense<0.000000e+00> : vector<2000x8xf32>
    %dot_general3A_8 = tpu.matmul %get3A_1, %get3A_7, %dot_general3A {dimension_numbers = #tpu.dot_dimension_numbers<[1], [0], [0], [1], [0, 0, 1, 1], [], []>, transpose_lhs_hint = false} : vector<2000x128xf32>, vector<128x8xf32>, vector<2000x8xf32> -> vector<2000x8xf32>
    %add3A = arith.addf %dot_general3A_8, %get3A_4 : vector<2000x8xf32>
    %get3A_9 = arith.constant 0 : index
    %get3A_10 = arith.constant 0 : index
    %get3A_11 = vector.load %arg4[%get3A_9, %get3A_10] : memref<1x8xf32, #tpu.memory_space<vmem>>, vector<1x8xf32>
    %get3A_12 = vector.shape_cast %get3A_11 : vector<1x8xf32> to vector<8xf32>
    %broadcast_in_dim3A = vector.shape_cast %get3A_12 : vector<8xf32> to vector<1x8xf32>
    %add3A_13 = vector.broadcast %broadcast_in_dim3A : vector<1x8xf32> to vector<2000x8xf32>
    %add3A_14 = arith.addf %add3A, %add3A_13 : vector<2000x8xf32>
    %reduce_sum3A = arith.constant dense<0.000000e+00> : vector<2000xf32>
    %reduce_sum3A_15 = vector.multi_reduction <add>, %add3A_14, %reduce_sum3A [1] : vector<2000x8xf32> to vector<2000xf32>
    %broadcast_in_dim3A_16 = vector.shape_cast %reduce_sum3A_15 : vector<2000xf32> to vector<2000x1xf32>
    %div3A = arith.constant 8.000000e+00 : f32
    %div3A_17 = vector.broadcast %div3A : f32 to vector<2000x1xf32>
    %div3A_18 = arith.divf %broadcast_in_dim3A_16, %div3A_17 : vector<2000x1xf32>
    %sub3A = vector.broadcast %div3A_18 : vector<2000x1xf32> to vector<2000x8xf32>
    %sub3A_19 = arith.subf %add3A_14, %sub3A : vector<2000x8xf32>
    %sub3A_20 = vector.broadcast %div3A_18 : vector<2000x1xf32> to vector<2000x8xf32>
    %sub3A_21 = arith.subf %add3A_14, %sub3A_20 : vector<2000x8xf32>
    %mul3A = arith.mulf %sub3A_19, %sub3A_21 : vector<2000x8xf32>
    %reduce_sum3A_22 = arith.constant dense<0.000000e+00> : vector<2000xf32>
    %reduce_sum3A_23 = vector.multi_reduction <add>, %mul3A, %reduce_sum3A_22 [1] : vector<2000x8xf32> to vector<2000xf32>
    %broadcast_in_dim3A_24 = vector.shape_cast %reduce_sum3A_23 : vector<2000xf32> to vector<2000x1xf32>
    %div3A_25 = arith.constant 8.000000e+00 : f32
    %div3A_26 = vector.broadcast %div3A_25 : f32 to vector<2000x1xf32>
    %div3A_27 = arith.divf %broadcast_in_dim3A_24, %div3A_26 : vector<2000x1xf32>
    %sub3A_28 = vector.broadcast %div3A_18 : vector<2000x1xf32> to vector<2000x8xf32>
    %sub3A_29 = arith.subf %add3A_14, %sub3A_28 : vector<2000x8xf32>
    %add3A_30 = arith.constant 9.99999974E-6 : f32
    %add3A_31 = vector.broadcast %add3A_30 : f32 to vector<2000x1xf32>
    %add3A_32 = arith.addf %div3A_27, %add3A_31 : vector<2000x1xf32>
    %rsqrt3A = math.rsqrt %add3A_32 : vector<2000x1xf32>
    %mul3A_33 = vector.broadcast %rsqrt3A : vector<2000x1xf32> to vector<2000x8xf32>
    %mul3A_34 = arith.mulf %sub3A_29, %mul3A_33 : vector<2000x8xf32>
    %get3A_35 = arith.constant 0 : index
    %get3A_36 = arith.constant 0 : index
    %get3A_37 = vector.load %arg5[%get3A_35, %get3A_36] : memref<1x8xf32, #tpu.memory_space<vmem>>, vector<1x8xf32>
    %get3A_38 = vector.shape_cast %get3A_37 : vector<1x8xf32> to vector<8xf32>
    %broadcast_in_dim3A_39 = vector.shape_cast %get3A_38 : vector<8xf32> to vector<1x8xf32>
    %mul3A_40 = vector.broadcast %broadcast_in_dim3A_39 : vector<1x8xf32> to vector<2000x8xf32>
    %mul3A_41 = arith.mulf %mul3A_34, %mul3A_40 : vector<2000x8xf32>
    %get3A_42 = arith.constant 0 : index
    %get3A_43 = arith.constant 0 : index
    %get3A_44 = vector.load %arg6[%get3A_42, %get3A_43] : memref<1x8xf32, #tpu.memory_space<vmem>>, vector<1x8xf32>
    %get3A_45 = vector.shape_cast %get3A_44 : vector<1x8xf32> to vector<8xf32>
    %broadcast_in_dim3A_46 = vector.shape_cast %get3A_45 : vector<8xf32> to vector<1x8xf32>
    %add3A_47 = vector.broadcast %broadcast_in_dim3A_46 : vector<1x8xf32> to vector<2000x8xf32>
    %add3A_48 = arith.addf %mul3A_41, %add3A_47 : vector<2000x8xf32>
    %max3A = arith.constant 0.000000e+00 : f32
    %max3A_49 = vector.broadcast %max3A : f32 to vector<2000x8xf32>
    %max3A_50 = arith.maximumf %add3A_48, %max3A_49 : vector<2000x8xf32>
    %get3A_51 = arith.constant 0 : index
    %get3A_52 = arith.constant 0 : index
    %get3A_53 = vector.load %arg7[%get3A_51, %get3A_52] : memref<8x128xf32, #tpu.memory_space<vmem>>, vector<8x128xf32>
    %dot_general3A_54 = arith.constant dense<0.000000e+00> : vector<2000x128xf32>
    %dot_general3A_55 = tpu.matmul %max3A_50, %get3A_53, %dot_general3A_54 {dimension_numbers = #tpu.dot_dimension_numbers<[1], [0], [0], [1], [0, 0, 1, 1], [], []>, transpose_lhs_hint = false} : vector<2000x8xf32>, vector<8x128xf32>, vector<2000x128xf32> -> vector<2000x128xf32>
    %get3A_56 = arith.constant 0 : index
    %get3A_57 = arith.constant 0 : index
    %get3A_58 = vector.load %arg8[%get3A_56, %get3A_57] : memref<1x128xf32, #tpu.memory_space<vmem>>, vector<1x128xf32>
    %get3A_59 = vector.shape_cast %get3A_58 : vector<1x128xf32> to vector<128xf32>
    %broadcast_in_dim3A_60 = vector.shape_cast %get3A_59 : vector<128xf32> to vector<1x128xf32>
    %add3A_61 = vector.broadcast %broadcast_in_dim3A_60 : vector<1x128xf32> to vector<2000x128xf32>
    %add3A_62 = arith.addf %dot_general3A_55, %add3A_61 : vector<2000x128xf32>
    %swap3A = arith.constant 0 : index
    %swap3A_63 = arith.constant 0 : index
    %swap3A_64 = vector.load %arg9[%swap3A, %swap3A_63] : memref<2000x128xf32, #tpu.memory_space<vmem>>, vector<2000x128xf32>
    tpu.vector_store %arg9[%swap3A, %swap3A_63], %add3A_62 {strides = array<i32>} : memref<2000x128xf32, #tpu.memory_space<vmem>>, vector<2000x128xf32>,
    return
  }
  func.func @transform_0(%arg0: i32) -> (i32, i32) {
    %c0_i32 = arith.constant 0 : i32
    %c0_i32_0 = arith.constant 0 : i32
    return %arg0, %c0_i32 : i32, i32
  }
  func.func @transform_1(%arg0: i32) -> (i32, i32) {
    %c0_i32 = arith.constant 0 : i32
    %c0_i32_0 = arith.constant 0 : i32
    return %arg0, %c0_i32 : i32, i32
  }
  func.func @transform_2(%arg0: i32) -> (i32, i32) {
    %c0_i32 = arith.constant 0 : i32
    %c0_i32_0 = arith.constant 0 : i32
    %c0_i32_1 = arith.constant 0 : i32
    return %c0_i32, %c0_i32_0 : i32, i32
  }
  func.func @transform_3(%arg0: i32) -> (i32, i32) {
    %c0_i32 = arith.constant 0 : i32
    %c0_i32_0 = arith.constant 0 : i32
    %c0_i32_1 = arith.constant 0 : i32
    return %c0_i32, %c0_i32_0 : i32, i32
  }
  func.func @transform_4(%arg0: i32) -> (i32, i32) {
    %c0_i32 = arith.constant 0 : i32
    %c0_i32_0 = arith.constant 0 : i32
    %c0_i32_1 = arith.constant 0 : i32
    return %c0_i32, %c0_i32_0 : i32, i32
  }
  func.func @transform_5(%arg0: i32) -> (i32, i32) {
    %c0_i32 = arith.constant 0 : i32
    %c0_i32_0 = arith.constant 0 : i32
    %c0_i32_1 = arith.constant 0 : i32
    return %c0_i32, %c0_i32_0 : i32, i32
  }
  func.func @transform_6(%arg0: i32) -> (i32, i32) {
    %c0_i32 = arith.constant 0 : i32
    %c0_i32_0 = arith.constant 0 : i32
    %c0_i32_1 = arith.constant 0 : i32
    return %c0_i32, %c0_i32_0 : i32, i32
  }
  func.func @transform_7(%arg0: i32) -> (i32, i32) {
    %c0_i32 = arith.constant 0 : i32
    %c0_i32_0 = arith.constant 0 : i32
    %c0_i32_1 = arith.constant 0 : i32
    return %c0_i32, %c0_i32_0 : i32, i32
  }
  func.func @transform_8(%arg0: i32) -> (i32, i32) {
    %c0_i32 = arith.constant 0 : i32
    %c0_i32_0 = arith.constant 0 : i32
    return %arg0, %c0_i32 : i32, i32
  }
}

</mosaic_0001>

<sc_bundles>
// kernel: kernel.10.cloned.1.call-start
scs
__scs_entry_jumppad:
0x0: {  	(pc) =	sbr.rel $0x88, $3  }
0x1: {  	(tag) =	ssettag $0x0;
	lr =	simm.s32 $0x1  }
0x2: {  	[smem:$0x3F96] =	sst lr;
	_ =	strace $0xD0000000  }
0x3: {  	_ = 	snop  }
0x4: {  	_ = 	snop  }
0x5: {  	_ = 	snop  }
0x6: {  	_ = 	snop  }
0x7: {  	_ = 	snop  }
__scs_overlays_trampoline_lowered:
0x8: {  	[smem:$0x3FA5] =	sst s0  }
0x9: {  	[smem:$0x3FA6] =	sst s1  }
0xa: {  	[smem:$0x3FA7] =	sst s2  }
0xb: {  	[smem:$0x3FA8] =	sst s3  }
0xc: {  	[smem:$0x3FA9] =	sst s4  }
0xd: {  	[smem:$0x3FAA] =	sst s5  }
0xe: {  	[smem:$0x3FAB] =	sst s6  }
0xf: {  	[smem:$0x3FAC] =	sst s7  }
0x10: {  	[smem:$0x3FAD] =	sst s8  }
0x11: {  	[smem:$0x3FAE] =	sst s9;
	s0 =	simm.s32 @!p0 $0x0  }
0x12: {  	s1 =	sld [smem:$0x3F94];
	s0 =	simm.s32 @p0 $0x1  }
0x13: {  	[smem:$0x3FAF] =	sst s0;
	s0 =	simm.s32 @!p1 $0x0  }
0x14: {  	s2 =	sld [smem:$0x3F93];
	s0 =	simm.s32 @p1 $0x1  }
0x15: {  	[smem:$0x3FB0] =	sst s0;
	s0 =	simm.s32 @!p2 $0x0  }
0x16: {  	s3 =	sld [smem:$0x3FDB];
	s0 =	simm.s32 @p2 $0x1  }
0x17: {  	s4 =	simm.s32 $0x1BF5;
	[smem:$0x3FB2] =	sst s0  }
0x18: {  	s0 =	sld [smem:$0x3F95];
	_ =	swait.ge [sflag:s4], $0x0  }
0x19: {  	s7 =	sld [smem:$0x3F96]  }
0x1a: {  	s8 =	sadd.s32 $0xFFFFE003, lr  }
0x1b: {  	s9 =	sadd.s32 $0xFFFFFEF7, lr;
	s5 =	simm.s32 $0xFFFFFFFF;
	p2 =	slt.u32 s8, $0xFFFFF086  }
0x1c: {  	p1 =	slt.u32 s9, $0xF7A;
	s5 =	simm.s32 @!p2 $0x0  }
0x1d: {  	s5 =	simm.s32 @p1 $0x1;
	p0 =	seq.s32 s7, s2  }
0x1e: {  	s7 =	smul.u32 @!p0 $0xF7A, s2;
	p2 =	seq.s32 @!p0 s5, $0x0  }
0x1f: {  	s9 =	smul.u32 $0xF7A, s1;
	s8 =	simm.s32 @!p0 $0x1BF5;
	p2 =	por !p2, p0  }
0x20: {  	[sflag:s8] =	ssyncset.s32 @!p0 $0xFFFFF086;
	s6 =	sadd.s32 @!p0 s3, s7;
	s7 =	simm.s32 @!p0 $0x108  }
0x21: {  	s3 =	sadd.s32 s3, s9;
	s6 =	sadd.s32 @!p0 $0x88, s6;
	s7 =	simm.s32 @p2 $0x1082  }
0x22: {  	[simem:s7], [sflag:s8] =	dma.local @!p0 [hbm:s6], $0xF7A  }
0x23: {  	s9 =	sor.u32 $0xD0000000, s2;
	s6 =	simm.s32 $0x108;
	_ =	swait.ge @!p0 [sflag:s8], $0x0  }
0x24: {  	s3 =	sadd.s32 $0x88, s3;
	s6 =	simm.s32 @!p1 $0x1082;
	[sflag:s4] =	ssyncset.s32 $0xFFFFF086  }
0x25: {  	[simem:s6], [sflag:s4] =	dma.local [hbm:s3], $0xF7A  }
0x26: {  	[smem:$0x3F96] =	sst s1;
	(tag) =	ssettag s2;
	_ =	strace s9  }
0x27: {  	s1 =	sld [smem:$0x3FA6]  }
0x28: {  	s2 =	sld [smem:$0x3FA7]  }
0x29: {  	s4 =	sld [smem:$0x3FA9]  }
0x2a: {  	p0 =	seq.s32 s5, $0x0;
	s5 =	sld [smem:$0x3FAA]  }
0x2b: {  	s6 =	sld [smem:$0x3FAB]  }
0x2c: {  	s7 =	sld [smem:$0x3FAC]  }
0x2d: {  	s3 =	simm.s32 $0x108;
	s8 =	sld [smem:$0x3FAD]  }
0x2e: {  	s3 =	simm.s32 @!p0 $0x1082;
	s9 =	sld [smem:$0x3FAE]  }
0x2f: {  	lr =	sadd.s32 s0, s3;
	s0 =	sld [smem:$0x3FA5]  }
0x30: {  	s3 =	sld [smem:$0x3FA8]  }
0x31: {  	[smem:$0x3FB1] =	sst s10  }
0x32: {  	s10 =	sld [smem:$0x3FAF];
	_ =	sdelay $0x3  }
0x33: {  	p0 =	seq.s32 s10, $0x1;
	s10 =	sld [smem:$0x3FB1];
	_ =	sdelay $0x3  }
0x34: {  	[smem:$0x3FB1] =	sst s10  }
0x35: {  	s10 =	sld [smem:$0x3FB0];
	_ =	sdelay $0x3  }
0x36: {  	p1 =	seq.s32 s10, $0x1;
	s10 =	sld [smem:$0x3FB1];
	_ =	sdelay $0x3  }
0x37: {  	[smem:$0x3FB1] =	sst s10  }
0x38: {  	s10 =	sld [smem:$0x3FB2]  }
0x39: {  	_ = 	snop;
	(pc) =	sbr.ind lr, $3  }
0x3a: {  	_ = 	snop  }
0x3b: {  	_ = 	snop  }
0x3c: {  	p2 =	seq.s32 s10, $0x1;
	s10 =	sld [smem:$0x3FB1]  }
0x3d: {  	_ =	shalt  }
0x3e: {  	_ =	shalt  }
0x3f: {  	_ =	shalt  }
0x40: {  	_ =	shalt  }
0x41: {  	_ =	shalt  }
0x42: {  	_ =	shalt  }
0x43: {  	_ =	shalt  }
0x44: {  	_ =	shalt  }
0x45: {  	_ =	shalt  }
0x46: {  	_ =	shalt  }
0x47: {  	_ =	shalt  }
0x48: {  	_ =	shalt  }
0x49: {  	_ =	shalt  }
0x4a: {  	_ =	shalt  }
0x4b: {  	_ =	shalt  }
0x4c: {  	_ =	shalt  }
0x4d: {  	_ =	shalt  }
0x4e: {  	_ =	shalt  }
0x4f: {  	_ =	shalt  }
0x50: {  	_ =	shalt  }
0x51: {  	_ =	shalt  }
0x52: {  	_ =	shalt  }
0x53: {  	_ =	shalt  }
0x54: {  	_ =	shalt  }
0x55: {  	_ =	shalt  }
0x56: {  	_ =	shalt  }
0x57: {  	_ =	shalt  }
0x58: {  	_ =	shalt  }
0x59: {  	_ =	shalt  }
0x5a: {  	_ =	shalt  }
0x5b: {  	_ =	shalt  }
0x5c: {  	_ =	shalt  }
0x5d: {  	_ =	shalt  }
0x5e: {  	_ =	shalt  }
0x5f: {  	_ =	shalt  }
0x60: {  	_ =	shalt  }
0x61: {  	_ =	shalt  }
0x62: {  	_ =	shalt  }
0x63: {  	_ =	shalt  }
0x64: {  	_ =	shalt  }
0x65: {  	_ =	shalt  }
0x66: {  	_ =	shalt  }
0x67: {  	_ =	shalt  }
0x68: {  	_ =	shalt  }
0x69: {  	_ =	shalt  }
0x6a: {  	_ =	shalt  }
0x6b: {  	_ =	shalt  }
0x6c: {  	_ =	shalt  }
0x6d: {  	_ =	shalt  }
0x6e: {  	_ =	shalt  }
0x6f: {  	_ =	shalt  }
0x70: {  	_ =	shalt  }
0x71: {  	_ =	shalt  }
0x72: {  	_ =	shalt  }
0x73: {  	_ =	shalt  }
0x74: {  	_ =	shalt  }
0x75: {  	_ =	shalt  }
0x76: {  	_ =	shalt  }
0x77: {  	_ =	shalt  }
0x78: {  	_ =	shalt  }
0x79: {  	_ =	shalt  }
0x7a: {  	_ =	shalt  }
0x7b: {  	_ =	shalt  }
0x7c: {  	_ =	shalt  }
0x7d: {  	_ =	shalt  }
0x7e: {  	_ =	shalt  }
0x7f: {  	_ =	shalt  }
0x80: {  	_ =	shalt  }
0x81: {  	_ =	shalt  }
0x82: {  	_ =	shalt  }
0x83: {  	_ =	shalt  }
0x84: {  	_ =	shalt  }
0x85: {  	_ =	shalt  }
0x86: {  	_ =	shalt  }
0x87: {  	_ =	shalt  }
.Lfunc_end0:
.L_simem_size_0:
called_computation.1_lowered:
.L_overlay_start_0:
0x88: {  	s2 =	sld [smem:$0x3FD9]  }
0x89: {  	s3 =	sld [smem:$0x3FFE];
	_ =	sdelay $0x1  }
0x8a: {  	s1 =	srdreg.scid  }
0x8b: {  	s0 =	sand.u32 $0x1, s1  }
0x8c: {  	s17 =	sshll.u32 s0, $0xA;
	s2 =	sadd.s32 s3, s2  }
0x8d: {  	s2 =	sadd.s32 s2, s17  }
0x8e: {  	[smem:$0x3FBD] =	sst s2  }
0x8f: {  	_ = 	snop  }
0x90: {  	s2 =	sld [smem:$0x3FD0];
	(tm) =	ssettm $0x1  }
0x91: {  	s18 =	sld [smem:$0x3FFB];
	_ =	sdelay $0x3  }
0x92: {  	_ =	strace s18  }
0x93: {  	s3 =	sld [smem:$0x3FFC];
	_ =	sdelay $0x3  }
0x94: {  	_ =	strace s3  }
0x95: {  	s3 =	sld [smem:$0x3FFD];
	_ =	sdelay $0x3  }
0x96: {  	_ =	strace s3  }
0x97: {  	_ =	strace $0x8FFFFFFF  }
0x98: {  	s19 =	sld [smem:$0x3FDB];
	_ =	sdelay $0x1  }
0x99: {  	s4 =	simm.s32 $_scs_section_size  }
0x9a: {  	s5 =	simm.s32 $_size__tile_overlayer_lowered;
	s6 =	simm.s32 $_tile_overlayer_lowered  }
0x9b: {  	s22 =	simm.s32 $0x1BFF;
	s21 =	sshll.u32 s6, $0x1;
	s3 =	sadd.s32 s4, s19  }
0x9c: {  	s7 =	simm.s32 $0x0;
	s20 =	sshll.u32 s5, $0x1;
	s5 =	sadd.s32 s21, s3  }
0x9d: {  	[timem:s7], [sflag:s22] =	dma.local [hbm:s5], s20  }
0x9e: {  	_ =	swait.ge [sflag:s22], s20  }
0x9f: {  	s4 =	ssub.s32 $0x0, s20;
	[sflag:s22] =	ssyncset.done $0x0  }
0xa0: {  	[sflag:s22] =	ssyncadd.s32 s4;
	_ =	sdelay $0x1  }
0xa1: {  	s23 =	simm.s32 $0x1B8B  }
0xa2: {  	_ =	swait.ge [sflag:s23], $0x1  }
0xa3: {  	[sflag:s23] =	ssyncset.done $0x0  }
0xa4: {  	s25 =	simm.s32 $0x1B8E;
	s24 =	sld [smem:$0x3FFE];
	[sflag:s23] =	ssyncadd.s32 $0xFFFFFFFF  }
0xa5: {  	s26 =	simm.s32 $execute0_lowered;
	[smem:$0x3FD2] =	sst s25  }
0xa6: {  	s5 =	sshll.u32 s26, $0x1;
	_ =	strace $0x80000049;
	[dreg:$0x1] =	wrdreg $0xFFFFFFFF  }
0xa7: {  	s28 =	simm.s32 $_size_execute0_lowered;
	s3 =	sadd.s32 s3, s5;
	[dreg:$0x0] =	wrdreg $0x0  }
0xa8: {  	s5 =	sshll.u32 s28, $0x1;
	[dreg:$0x2] =	wrdreg s3  }
0xa9: {  	[dreg:$0x3] =	wrdreg s5  }
0xaa: {  	[dreg:$0x4] =	wrdreg $0xC0  }
0xab: {  	_ =	task [dreg:s7], $0x5FFFF  }
0xac: {  	[dreg:$0x1] =	wrdreg $0xFFFFFFFF  }
0xad: {  	[dreg:$0x0] =	wrdreg $0x60  }
0xae: {  	[dreg:$0x2] =	wrdreg s2  }
0xaf: {  	[dreg:$0x3] =	wrdreg s24  }
0xb0: {  	[dreg:$0x4] =	wrdreg $0x9  }
0xb1: {  	_ =	task.clear_ibuf [dreg:s7], $0x5FFFF;
	_ =	strace $0x90000049  }
0xb2: {  	s29 =	simm.s32 $0x9;
	_ =	strace $0x8000004B  }
0xb3: {  	_ =	swait.ge [sflag:s29], $0x1  }
0xb4: {  	[sflag:s29] =	ssyncadd.s32 $0xFFFFFFFF  }
0xb5: {  	_ =	strace $0x9000004B  }
0xb6: {  	_ =	sfence  }
0xb7: {  	s30 =	sld [smem:$0x0];
	_ =	sdelay $0x2  }
0xb8: {  	s31 =	sshll.u32 s1, $0xD;
	s1 =	sshrl.u32 s1, $0x2  }
0xb9: {  	s3 =	sand.u32 $0x4000, s31;
	s1 =	sadd.s32 s1, s30  }
0xba: {  	s0 =	sor.u32 s3, s0;
	s1 =	sshll.u32 s1, $0x11  }
0xbb: {  	s0 =	sor.u32 s1, s0  }
0xbc: {  	s0 =	sadd.s32 $0x8F2B, s0  }
0xbd: {  	[sflag:s0] =	ssyncadd.remote.s32 $0x1  }
0xbe: {  	_ =	sfence.sel $0xFFFF  }
0xbf: {  	[dreg:$0x0] =	wrdreg $0xFFFFFFFF;
	(pc) =	sbr.abs _section_cstart, $3  }
0xc0: {  	[dreg:$0x1] =	wrdreg $0xFFFFFFFF  }
0xc1: {  	_ =	task.clear_ibuf [dreg:s7], $0x2FFFF;
	_ =	strace $0x9FFFFFFF  }
0xc2: {  	(tm) =	ssettm $0x7FFFFFFF  }
0xc3: {  	_ =	shalt  }
tec
execute0_lowered:
.L_overlay_start_1:
0x0: {  	(tag) =	ssettag $0x1  }
0x1: {  	s4 =	rddreg [dreg:$0x0];
	s1 =	srdreg.scid  }
0x2: {  	s0 =	stileid.u32;
	s3 =	rddreg [dreg:$0x1]  }
0x3: {  	s10 =	simm.s32 $0x80;
	s11 =	simm.s32 $0x400;
	s12 =	simm.s32 $0x0  }
0x4: {  	s5 =	sand.u32 $0x1, s1;
	s2 =	sshll.u32 s0, $0x1;
	s8 =	sshrl.u32 s0, $0x2  }
0x5: {  	s1 =	rddreg [dreg:$0x2];
	s6 =	sor.u32 s5, s2;
	s8 =	smul.u32 $0x9C400, s8  }
0x6: {  	s2 =	simm.s32 $0x0;
	s5 =	ssub.s32 $0x2, s5;
	s7 =	smul.u32 $0x271, s6  }
0x7: {  	[smem:$0x7FF] =	sst s2;
	s9 =	sshll.u32 s6, $0x7;
	s31 =	sshrl.u32 s5, $0x1  }
0x8: {  	s6 =	smul.u32 $0x1388, s6;
	_ =	strace $0x8000004A;
	s9 =	sand.u32 $0x380, s9  }
0x9: {  	s7 =	sadd.s32 s7, s3;
	s8 =	sor.u32 s8, s9;
	s9 =	ssub.s32 s5, s31  }
0xa: {  	s4 =	sadd.s32 s4, s6;
	s8 =	sshrl.u32 s8, $0x3;
	s6 =	smax.u32 s9, $0x1  }
0xb: {  	v2 =	vlaneseq.u32;
	s9 =	simm.s32 $0xB080;
	s8 =	sadd.s32 s8, s3;
	s3 =	sadd.s32 $0x7400, s7  }
0xc: {  	v0 =	vimm.f32 $0.0e+00;
	v1 =	vshrl.u32 v2, $0x3;
	v2 =	vand.u32 $0x7, v2;
	s7 =	simm.s32 $0x1;
	s5 =	sadd.s32 $0xC400, s8;
	s8 =	simm.s32 $0x1400  }
.LBB2_1:
0xd: {  	[tilespmem:s2], [sflag:$0x1] =	stream.linear.gather [hbm4b:s3+s2], $0x1388, $0x38;
	[tilespmem:$0x1E900] =	vst v63  }
0xe: {  	_ =	swait.ge [sflag:s7], $0x1388  }
0xf: {  	[sflag:s7] =	ssyncset.done $0x0  }
0x10: {  	[sflag:s7] =	ssyncadd.s32 $0xFFFFEC78  }
0x11: {  	[tilespmem:s8], [sflag:$0x1] =	stream.linear.gather [hbm4b:s4+s2], $0x9C40, $0x38;
	[tilespmem:$0x1E900] =	vst v63  }
0x12: {  	_ =	swait.ge [sflag:s7], $0x9C40  }
0x13: {  	[sflag:s7] =	ssyncset.done $0x0  }
0x14: {  	s13 =	simm.s32 $0x0;
	[sflag:s7] =	ssyncadd.s32 $0xFFFF63C0  }
.LBB2_2:
0x15: {  	p0 =	sne.s32 s13, $0x4E1C0  }
.Ltmp0:
0x16: {  	_ = 	snop;
	(pc) =	sbr.rel @p0 .LBB2_2-.Ltmp0, $3  }
0x17: {  	_ =	sdelay $0x1  }
0x18: {  	s14 =	sshra.s32 s13, $0x2  }
0x19: {  	s13 =	sadd.s32 $0x40, s13;
	[tilespmem:s14+$0xB080] =	vst v0  }
0x1a: {  	s13 =	simm.s32 $0x0  }
0x1b: {  	v3 =	vor.u32 s13, v1;
	_ =	sdelay $0x4  }
0x1c: {  	v3 =	vld.idx.msk [tilespmem:v3+s2+$0x0], $0xffff;
	_ =	sdelay $0x4  }
0x1d: {  	s13 =	simm.s32 $0x1400;
	v4 =	vshll.u32 v3, $0x3  }
0x1e: {  	s14 =	simm.s32 $0x2;
	v3 =	vld [tilespmem:s13+$0x0];
	v4 =	vor.u32 v2, v4  }
0x1f: {  	v5 =	vor.u32 s14, v1;
	s14 =	simm.s32 $0x4  }
.LBB2_4:
0x20: {  	p0 =	sne.s32 s14, $0x1386;
	_ =	sdelay $0x2  }
0x21: {  	[tilespmem:v4+s9+$0x0] =	vst.idx.add.f32.msk $0xffff, v3  }
0x22: {  	v3 =	vld.idx.msk [tilespmem:v5+s2+$0x0], $0xffff;
	_ =	sdelay $0x3  }
.Ltmp1:
0x23: {  	(pc) =	sbr.rel @p0 .LBB2_4-.Ltmp1, $4  }
0x24: {  	_ = 	snop  }
0x25: {  	s13 =	sadd.s32 $0x10, s13;
	v4 =	vshll.u32 v3, $0x3  }
0x26: {  	v4 =	vor.u32 v2, v4;
	v3 =	vld [tilespmem:s13+$0x0]  }
0x27: {  	v5 =	vor.u32 s14, v1;
	s14 =	sadd.s32 $0x2, s14  }
0x28: {  	_ =	sdelay $0x3  }
0x29: {  	[tilespmem:v4+s9+$0x0] =	vst.idx.add.f32.msk $0xffff, v3  }
0x2a: {  	v3 =	vld.idx.msk [tilespmem:v5+s2+$0x0], $0xffff;
	_ =	sdelay $0x4  }
0x2b: {  	s13 =	sadd.s32 $0x10, s13;
	v3 =	vshll.u32 v3, $0x3  }
0x2c: {  	v4 =	vld [tilespmem:s13+$0x0];
	v3 =	vor.u32 v2, v3;
	_ =	sdelay $0x2  }
0x2d: {  	s12 =	sadd.s32 $0x1, s12  }
0x2e: {  	p0 =	sne.s32 s12, s6  }
.Ltmp2:
0x2f: {  	[tilespmem:v3+s9+$0x0] =	vst.idx.add.f32.msk $0xffff, v4;
	(pc) =	sbr.rel @p0 .LBB2_1-.Ltmp2, $4  }
0x30: {  	[hbm4b:s5+s10] =	stream.strided.scatter [tilespmem:s9], [sflag:$0x1], $0x13880, s11, s10, $0x38;
	[tilespmem:$0x1E900] =	vst v63  }
0x31: {  	_ =	swait.ge [sflag:s7], $0x13880  }
0x32: {  	[sflag:s7] =	ssyncset.done $0x0  }
0x33: {  	[sflag:s7] =	ssyncadd.s32 $0xFFFEC780  }
0x34: {  	_ =	sfence.sel $0x180000  }
0x35: {  	[bflag:$0x0] =	sbarrier.arrive $0xFFFF  }
0x36: {  	p0 =	sne.s32 s0, $0x0;
	_ =	strace $0x9000004A  }
0x37: {  	s0 =	sadd.s32 @!p0 $0x100000, s1;
	[bflag:$0x2] =	sbarrier.arrive $0xFFFF  }
0x38: {  	[sflag:s0] =	ssyncadd.tile.s32 @!p0 $0x1;
	_ =	shalt  }
.Lfunc_end2:
_tile_overlayer_lowered:
.L_overlay_start_2:
0x39: {  	(tag) =	ssettag $0x2  }
0x3a: {  	s0 =	rddreg [dreg:$0x0];
	s2 =	stileid.u32  }
0x3b: {  	s1 =	rddreg [dreg:$0x1];
	p0 =	sne.s32 s2, $0x0  }
0x3c: {  	s3 =	rddreg [dreg:$0x2];
	[bflag:$0x3] =	sbarrier.arrive $0xFFFF;
	s2 =	simm.s32 @!p0 $0x1C01  }
0x3d: {  	[timem:s3], [sflag:s2] =	dma.local @!p0 [hbm:s0], s1  }
0x3e: {  	s0 =	simm.s32 @!p0 $0x1  }
0x3f: {  	_ =	swait.ge @!p0 [sflag:s0], s1  }
0x40: {  	s1 =	ssub.s32 @!p0 $0x0, s1;
	[sflag:s0] =	ssyncset.done @!p0 $0x0  }
0x41: {  	[sflag:s0] =	ssyncadd.s32 @!p0 s1  }
0x42: {  	[bflag:$0x3] =	sbarrier.arrive $0xFFFF  }
0x43: {  	_ =	shalt  }

// kernel: kernel.7.cloned.1.call-start
scs
__scs_entry_jumppad:
0x0: {  	(pc) =	sbr.rel $0x88, $3  }
0x1: {  	(tag) =	ssettag $0x0;
	lr =	simm.s32 $0x1  }
0x2: {  	[smem:$0x3F96] =	sst lr;
	_ =	strace $0xD0000000  }
0x3: {  	_ = 	snop  }
0x4: {  	_ = 	snop  }
0x5: {  	_ = 	snop  }
0x6: {  	_ = 	snop  }
0x7: {  	_ = 	snop  }
__scs_overlays_trampoline_lowered:
0x8: {  	[smem:$0x3FA5] =	sst s0  }
0x9: {  	[smem:$0x3FA6] =	sst s1  }
0xa: {  	[smem:$0x3FA7] =	sst s2  }
0xb: {  	[smem:$0x3FA8] =	sst s3  }
0xc: {  	[smem:$0x3FA9] =	sst s4  }
0xd: {  	[smem:$0x3FAA] =	sst s5  }
0xe: {  	[smem:$0x3FAB] =	sst s6  }
0xf: {  	[smem:$0x3FAC] =	sst s7  }
0x10: {  	[smem:$0x3FAD] =	sst s8  }
0x11: {  	[smem:$0x3FAE] =	sst s9;
	s0 =	simm.s32 @!p0 $0x0  }
0x12: {  	s1 =	sld [smem:$0x3F94];
	s0 =	simm.s32 @p0 $0x1  }
0x13: {  	[smem:$0x3FAF] =	sst s0;
	s0 =	simm.s32 @!p1 $0x0  }
0x14: {  	s2 =	sld [smem:$0x3F93];
	s0 =	simm.s32 @p1 $0x1  }
0x15: {  	[smem:$0x3FB0] =	sst s0;
	s0 =	simm.s32 @!p2 $0x0  }
0x16: {  	s3 =	sld [smem:$0x3FDB];
	s0 =	simm.s32 @p2 $0x1  }
0x17: {  	s4 =	simm.s32 $0x1BF5;
	[smem:$0x3FB2] =	sst s0  }
0x18: {  	s0 =	sld [smem:$0x3F95];
	_ =	swait.ge [sflag:s4], $0x0  }
0x19: {  	s7 =	sld [smem:$0x3F96]  }
0x1a: {  	s8 =	sadd.s32 $0xFFFFE003, lr  }
0x1b: {  	s9 =	sadd.s32 $0xFFFFFEF7, lr;
	s5 =	simm.s32 $0xFFFFFFFF;
	p2 =	slt.u32 s8, $0xFFFFF086  }
0x1c: {  	p1 =	slt.u32 s9, $0xF7A;
	s5 =	simm.s32 @!p2 $0x0  }
0x1d: {  	s5 =	simm.s32 @p1 $0x1;
	p0 =	seq.s32 s7, s2  }
0x1e: {  	s7 =	smul.u32 @!p0 $0xF7A, s2;
	p2 =	seq.s32 @!p0 s5, $0x0  }
0x1f: {  	s9 =	smul.u32 $0xF7A, s1;
	s8 =	simm.s32 @!p0 $0x1BF5;
	p2 =	por !p2, p0  }
0x20: {  	[sflag:s8] =	ssyncset.s32 @!p0 $0xFFFFF086;
	s6 =	sadd.s32 @!p0 s3, s7;
	s7 =	simm.s32 @!p0 $0x108  }
0x21: {  	s3 =	sadd.s32 s3, s9;
	s6 =	sadd.s32 @!p0 $0x88, s6;
	s7 =	simm.s32 @p2 $0x1082  }
0x22: {  	[simem:s7], [sflag:s8] =	dma.local @!p0 [hbm:s6], $0xF7A  }
0x23: {  	s9 =	sor.u32 $0xD0000000, s2;
	s6 =	simm.s32 $0x108;
	_ =	swait.ge @!p0 [sflag:s8], $0x0  }
0x24: {  	s3 =	sadd.s32 $0x88, s3;
	s6 =	simm.s32 @!p1 $0x1082;
	[sflag:s4] =	ssyncset.s32 $0xFFFFF086  }
0x25: {  	[simem:s6], [sflag:s4] =	dma.local [hbm:s3], $0xF7A  }
0x26: {  	[smem:$0x3F96] =	sst s1;
	(tag) =	ssettag s2;
	_ =	strace s9  }
0x27: {  	s1 =	sld [smem:$0x3FA6]  }
0x28: {  	s2 =	sld [smem:$0x3FA7]  }
0x29: {  	s4 =	sld [smem:$0x3FA9]  }
0x2a: {  	p0 =	seq.s32 s5, $0x0;
	s5 =	sld [smem:$0x3FAA]  }
0x2b: {  	s6 =	sld [smem:$0x3FAB]  }
0x2c: {  	s7 =	sld [smem:$0x3FAC]  }
0x2d: {  	s3 =	simm.s32 $0x108;
	s8 =	sld [smem:$0x3FAD]  }
0x2e: {  	s3 =	simm.s32 @!p0 $0x1082;
	s9 =	sld [smem:$0x3FAE]  }
0x2f: {  	lr =	sadd.s32 s0, s3;
	s0 =	sld [smem:$0x3FA5]  }
0x30: {  	s3 =	sld [smem:$0x3FA8]  }
0x31: {  	[smem:$0x3FB1] =	sst s10  }
0x32: {  	s10 =	sld [smem:$0x3FAF];
	_ =	sdelay $0x3  }
0x33: {  	p0 =	seq.s32 s10, $0x1;
	s10 =	sld [smem:$0x3FB1];
	_ =	sdelay $0x3  }
0x34: {  	[smem:$0x3FB1] =	sst s10  }
0x35: {  	s10 =	sld [smem:$0x3FB0];
	_ =	sdelay $0x3  }
0x36: {  	p1 =	seq.s32 s10, $0x1;
	s10 =	sld [smem:$0x3FB1];
	_ =	sdelay $0x3  }
0x37: {  	[smem:$0x3FB1] =	sst s10  }
0x38: {  	s10 =	sld [smem:$0x3FB2]  }
0x39: {  	_ = 	snop;
	(pc) =	sbr.ind lr, $3  }
0x3a: {  	_ = 	snop  }
0x3b: {  	_ = 	snop  }
0x3c: {  	p2 =	seq.s32 s10, $0x1;
	s10 =	sld [smem:$0x3FB1]  }
0x3d: {  	_ =	shalt  }
0x3e: {  	_ =	shalt  }
0x3f: {  	_ =	shalt  }
0x40: {  	_ =	shalt  }
0x41: {  	_ =	shalt  }
0x42: {  	_ =	shalt  }
0x43: {  	_ =	shalt  }
0x44: {  	_ =	shalt  }
0x45: {  	_ =	shalt  }
0x46: {  	_ =	shalt  }
0x47: {  	_ =	shalt  }
0x48: {  	_ =	shalt  }
0x49: {  	_ =	shalt  }
0x4a: {  	_ =	shalt  }
0x4b: {  	_ =	shalt  }
0x4c: {  	_ =	shalt  }
0x4d: {  	_ =	shalt  }
0x4e: {  	_ =	shalt  }
0x4f: {  	_ =	shalt  }
0x50: {  	_ =	shalt  }
0x51: {  	_ =	shalt  }
0x52: {  	_ =	shalt  }
0x53: {  	_ =	shalt  }
0x54: {  	_ =	shalt  }
0x55: {  	_ =	shalt  }
0x56: {  	_ =	shalt  }
0x57: {  	_ =	shalt  }
0x58: {  	_ =	shalt  }
0x59: {  	_ =	shalt  }
0x5a: {  	_ =	shalt  }
0x5b: {  	_ =	shalt  }
0x5c: {  	_ =	shalt  }
0x5d: {  	_ =	shalt  }
0x5e: {  	_ =	shalt  }
0x5f: {  	_ =	shalt  }
0x60: {  	_ =	shalt  }
0x61: {  	_ =	shalt  }
0x62: {  	_ =	shalt  }
0x63: {  	_ =	shalt  }
0x64: {  	_ =	shalt  }
0x65: {  	_ =	shalt  }
0x66: {  	_ =	shalt  }
0x67: {  	_ =	shalt  }
0x68: {  	_ =	shalt  }
0x69: {  	_ =	shalt  }
0x6a: {  	_ =	shalt  }
0x6b: {  	_ =	shalt  }
0x6c: {  	_ =	shalt  }
0x6d: {  	_ =	shalt  }
0x6e: {  	_ =	shalt  }
0x6f: {  	_ =	shalt  }
0x70: {  	_ =	shalt  }
0x71: {  	_ =	shalt  }
0x72: {  	_ =	shalt  }
0x73: {  	_ =	shalt  }
0x74: {  	_ =	shalt  }
0x75: {  	_ =	shalt  }
0x76: {  	_ =	shalt  }
0x77: {  	_ =	shalt  }
0x78: {  	_ =	shalt  }
0x79: {  	_ =	shalt  }
0x7a: {  	_ =	shalt  }
0x7b: {  	_ =	shalt  }
0x7c: {  	_ =	shalt  }
0x7d: {  	_ =	shalt  }
0x7e: {  	_ =	shalt  }
0x7f: {  	_ =	shalt  }
0x80: {  	_ =	shalt  }
0x81: {  	_ =	shalt  }
0x82: {  	_ =	shalt  }
0x83: {  	_ =	shalt  }
0x84: {  	_ =	shalt  }
0x85: {  	_ =	shalt  }
0x86: {  	_ =	shalt  }
0x87: {  	_ =	shalt  }
.Lfunc_end0:
.L_simem_size_0:
called_computation_lowered:
.L_overlay_start_0:
0x88: {  	s2 =	sld [smem:$0x3FD9]  }
0x89: {  	s3 =	sld [smem:$0x3FFE];
	_ =	sdelay $0x1  }
0x8a: {  	s1 =	srdreg.scid  }
0x8b: {  	s0 =	sand.u32 $0x1, s1  }
0x8c: {  	s17 =	sshll.u32 s0, $0xA;
	s2 =	sadd.s32 s3, s2  }
0x8d: {  	s2 =	sadd.s32 s2, s17  }
0x8e: {  	[smem:$0x3FBD] =	sst s2  }
0x8f: {  	_ = 	snop  }
0x90: {  	s2 =	sld [smem:$0x3FD0];
	(tm) =	ssettm $0x1  }
0x91: {  	s18 =	sld [smem:$0x3FFB];
	_ =	sdelay $0x3  }
0x92: {  	_ =	strace s18  }
0x93: {  	s3 =	sld [smem:$0x3FFC];
	_ =	sdelay $0x3  }
0x94: {  	_ =	strace s3  }
0x95: {  	s3 =	sld [smem:$0x3FFD];
	_ =	sdelay $0x3  }
0x96: {  	_ =	strace s3  }
0x97: {  	_ =	strace $0x8FFFFFFF  }
0x98: {  	s19 =	sld [smem:$0x3FDB];
	_ =	sdelay $0x1  }
0x99: {  	s4 =	simm.s32 $_scs_section_size  }
0x9a: {  	s5 =	simm.s32 $_size__tile_overlayer_lowered;
	s6 =	simm.s32 $_tile_overlayer_lowered  }
0x9b: {  	s22 =	simm.s32 $0x1BFF;
	s21 =	sshll.u32 s6, $0x1;
	s3 =	sadd.s32 s4, s19  }
0x9c: {  	s7 =	simm.s32 $0x0;
	s20 =	sshll.u32 s5, $0x1;
	s5 =	sadd.s32 s21, s3  }
0x9d: {  	[timem:s7], [sflag:s22] =	dma.local [hbm:s5], s20  }
0x9e: {  	_ =	swait.ge [sflag:s22], s20  }
0x9f: {  	s4 =	ssub.s32 $0x0, s20;
	[sflag:s22] =	ssyncset.done $0x0  }
0xa0: {  	[sflag:s22] =	ssyncadd.s32 s4;
	_ =	sdelay $0x1  }
0xa1: {  	s23 =	simm.s32 $0x1B8B  }
0xa2: {  	_ =	swait.ge [sflag:s23], $0x1  }
0xa3: {  	[sflag:s23] =	ssyncset.done $0x0  }
0xa4: {  	s25 =	simm.s32 $0x1B8E;
	s24 =	sld [smem:$0x3FFE];
	[sflag:s23] =	ssyncadd.s32 $0xFFFFFFFF  }
0xa5: {  	s26 =	simm.s32 $execute0_lowered;
	[smem:$0x3FD2] =	sst s25  }
0xa6: {  	s5 =	sshll.u32 s26, $0x1;
	_ =	strace $0x80000046;
	[dreg:$0x1] =	wrdreg $0xFFFFFFFF  }
0xa7: {  	s28 =	simm.s32 $_size_execute0_lowered;
	s3 =	sadd.s32 s3, s5;
	[dreg:$0x0] =	wrdreg $0x0  }
0xa8: {  	s5 =	sshll.u32 s28, $0x1;
	[dreg:$0x2] =	wrdreg s3  }
0xa9: {  	[dreg:$0x3] =	wrdreg s5  }
0xaa: {  	[dreg:$0x4] =	wrdreg $0xC0  }
0xab: {  	_ =	task [dreg:s7], $0x5FFFF  }
0xac: {  	[dreg:$0x1] =	wrdreg $0xFFFFFFFF  }
0xad: {  	[dreg:$0x0] =	wrdreg $0x60  }
0xae: {  	[dreg:$0x2] =	wrdreg s2  }
0xaf: {  	[dreg:$0x3] =	wrdreg s24  }
0xb0: {  	[dreg:$0x4] =	wrdreg $0x9  }
0xb1: {  	_ =	task.clear_ibuf [dreg:s7], $0x5FFFF;
	_ =	strace $0x90000046  }
0xb2: {  	s29 =	simm.s32 $0x9;
	_ =	strace $0x80000048  }
0xb3: {  	_ =	swait.ge [sflag:s29], $0x1  }
0xb4: {  	[sflag:s29] =	ssyncadd.s32 $0xFFFFFFFF  }
0xb5: {  	_ =	strace $0x90000048  }
0xb6: {  	_ =	sfence  }
0xb7: {  	s30 =	sld [smem:$0x0];
	_ =	sdelay $0x2  }
0xb8: {  	s31 =	sshll.u32 s1, $0xD;
	s1 =	sshrl.u32 s1, $0x2  }
0xb9: {  	s3 =	sand.u32 $0x4000, s31;
	s1 =	sadd.s32 s1, s30  }
0xba: {  	s0 =	sor.u32 s3, s0;
	s1 =	sshll.u32 s1, $0x11  }
0xbb: {  	s0 =	sor.u32 s1, s0  }
0xbc: {  	s0 =	sadd.s32 $0x8F2B, s0  }
0xbd: {  	[sflag:s0] =	ssyncadd.remote.s32 $0x1  }
0xbe: {  	_ =	sfence.sel $0xFFFF  }
0xbf: {  	[dreg:$0x0] =	wrdreg $0xFFFFFFFF;
	(pc) =	sbr.abs _section_cstart, $3  }
0xc0: {  	[dreg:$0x1] =	wrdreg $0xFFFFFFFF  }
0xc1: {  	_ =	task.clear_ibuf [dreg:s7], $0x2FFFF;
	_ =	strace $0x9FFFFFFF  }
0xc2: {  	(tm) =	ssettm $0x7FFFFFFF  }
0xc3: {  	_ =	shalt  }
tec
execute0_lowered:
.L_overlay_start_1:
0x0: {  	(tag) =	ssettag $0x1  }
0x1: {  	s1 =	srdreg.scid;
	s2 =	rddreg [dreg:$0x0]  }
0x2: {  	s0 =	stileid.u32;
	s5 =	rddreg [dreg:$0x1];
	s3 =	simm.s32 $0x0  }
0x3: {  	s11 =	simm.s32 $0x8;
	s12 =	simm.s32 $0x1380;
	s13 =	simm.s32 $0x5400  }
0x4: {  	s4 =	sand.u32 $0x1, s1;
	s26 =	sshll.u32 s0, $0x1;
	s8 =	smul.u32 $0x138800, s0  }
0x5: {  	s6 =	sor.u32 s4, s26;
	s9 =	ssub.s32 $0x2, s4;
	s4 =	smul.u32 $0x9C400, s4  }
0x6: {  	s14 =	simm.s32 $0x0;
	s1 =	rddreg [dreg:$0x2];
	s7 =	smul.u32 $0x271, s6  }
0x7: {  	[smem:$0x7FF] =	sst s3;
	s6 =	smul.u32 $0x9C400, s6;
	s28 =	sshrl.u32 s9, $0x1  }
0x8: {  	s10 =	sadd.s32 $0xC400, s5;
	_ =	strace $0x80000047;
	s9 =	ssub.s32 s9, s28  }
0x9: {  	s30 =	sadd.s32 s4, s8;
	s8 =	simm.s32 $0x1;
	s6 =	sshrl.u32 s6, $0x3  }
0xa: {  	s7 =	sadd.s32 s7, s5;
	s31 =	sshrl.u32 s30, $0x3;
	s29 =	sadd.s32 s10, s6  }
0xb: {  	s4 =	sadd.s32 $0x2400, s7;
	s6 =	smax.u32 s9, $0x1;
	s7 =	sadd.s32 s31, s10  }
0xc: {  	s9 =	simm.s32 $0x80;
	s10 =	simm.s32 $0x1400;
	s5 =	sadd.s32 $0x13800, s29  }
.LBB2_1:
0xd: {  	[tilespmem:s3], [sflag:$0x1] =	stream.linear.gather [hbm4b:s4+s3], $0x1388, $0x38;
	[tilespmem:$0x5800] =	vst v63  }
0xe: {  	_ =	swait.ge [sflag:s8], $0x1388  }
0xf: {  	[sflag:s8] =	ssyncset.done $0x0  }
0x10: {  	s15 =	simm.s32 $0x0;
	[sflag:s8] =	ssyncadd.s32 $0xFFFFEC78  }
0x11: {  	[tilespmem:s10], [sflag:$0x1] =	stream.indirect.gather [hbm4b:s2+s9], $0x80, s15, s9, $0xb8;
	[tilespmem:$0x5800] =	vst v63  }
0x12: {  	_ =	swait.ge [sflag:s8], $0x4000  }
0x13: {  	[sflag:s8] =	ssyncset.done $0x0  }
0x14: {  	[sflag:s8] =	ssyncadd.s32 $0xFFFFC000  }
0x15: {  	[hbm4b:s7+s3] =	stream.linear.scatter [tilespmem:s10], [sflag:$0x1], $0x4000, $0x38;
	[tilespmem:$0x5800] =	vst v63  }
0x16: {  	s16 =	simm.s32 $0x200;
	_ =	swait.ge [sflag:s8], $0x4000  }
0x17: {  	s17 =	simm.s32 $0x400;
	s15 =	sadd.s32 $0x800, s7;
	[sflag:s8] =	ssyncset.done $0x0  }
.LBB2_2:
0x18: {  	s18 =	sshra.s32 s16, $0x2  }
0x19: {  	[sflag:s8] =	ssyncadd.s32 $0xFFFFC000;
	s16 =	smov.u32 s17;
	s19 =	sadd.s32 $0x200, s17  }
0x1a: {  	[tilespmem:s10], [sflag:$0x1] =	stream.indirect.gather [hbm4b:s2+s9], $0x80, s18, s9, $0xb8;
	[tilespmem:$0x5800] =	vst v63  }
0x1b: {  	p0 =	sne.s32 s17, $0x4C00;
	_ =	swait.ge [sflag:s8], $0x4000  }
.Ltmp0:
0x1c: {  	[sflag:s8] =	ssyncset.done $0x0;
	(pc) =	sbr.rel @p0 .LBB2_2-.Ltmp0, $4  }
0x1d: {  	[sflag:s8] =	ssyncadd.s32 $0xFFFFC000  }
0x1e: {  	[hbm4b:s15+s3] =	stream.linear.scatter [tilespmem:s10], [sflag:$0x1], $0x4000, $0x38;
	[tilespmem:$0x5800] =	vst v63  }
0x1f: {  	_ =	swait.ge [sflag:s8], $0x4000  }
0x20: {  	s17 =	smov.u32 s19;
	s15 =	sadd.s32 $0x800, s15;
	[sflag:s8] =	ssyncset.done $0x0  }
0x21: {  	s16 =	sshra.s32 s16, $0x2;
	[sflag:s8] =	ssyncadd.s32 $0xFFFFC000  }
0x22: {  	[tilespmem:s10], [sflag:$0x1] =	stream.indirect.gather [hbm4b:s2+s9], $0x80, s16, s9, $0xb8;
	[tilespmem:$0x5800] =	vst v63  }
0x23: {  	_ =	swait.ge [sflag:s8], $0x4000  }
0x24: {  	[sflag:s8] =	ssyncset.done $0x0  }
0x25: {  	[sflag:s8] =	ssyncadd.s32 $0xFFFFC000  }
0x26: {  	[hbm4b:s15+s3] =	stream.linear.scatter [tilespmem:s10], [sflag:$0x1], $0x4000, $0x38;
	[tilespmem:$0x5800] =	vst v63  }
0x27: {  	_ =	swait.ge [sflag:s8], $0x4000  }
0x28: {  	[sflag:s8] =	ssyncset.done $0x0  }
0x29: {  	[sflag:s8] =	ssyncadd.s32 $0xFFFFC000  }
0x2a: {  	[tilespmem:s13], [sflag:$0x1] =	stream.indirect.gather [hbm4b:s2+s11], $0x80, s12, s11, $0xb8;
	[tilespmem:$0x5800] =	vst v63  }
0x2b: {  	s14 =	sadd.s32 $0x1, s14;
	_ =	swait.ge [sflag:s8], $0x400  }
0x2c: {  	p0 =	sne.s32 s14, s6;
	[sflag:s8] =	ssyncset.done $0x0  }
.Ltmp1:
0x2d: {  	[sflag:s8] =	ssyncadd.s32 $0xFFFFFC00;
	(pc) =	sbr.rel @p0 .LBB2_1-.Ltmp1, $4  }
0x2e: {  	[hbm4b:s5+s3] =	stream.linear.scatter [tilespmem:s13], [sflag:$0x1], $0x400, $0x38;
	[tilespmem:$0x5800] =	vst v63  }
0x2f: {  	_ =	swait.ge [sflag:s8], $0x400  }
0x30: {  	[sflag:s8] =	ssyncset.done $0x0  }
0x31: {  	[sflag:s8] =	ssyncadd.s32 $0xFFFFFC00  }
0x32: {  	_ =	sfence.sel $0x180000  }
0x33: {  	[bflag:$0x0] =	sbarrier.arrive $0xFFFF  }
0x34: {  	p0 =	sne.s32 s0, $0x0;
	_ =	strace $0x90000047  }
0x35: {  	s0 =	sadd.s32 @!p0 $0x100000, s1;
	[bflag:$0x2] =	sbarrier.arrive $0xFFFF  }
0x36: {  	[sflag:s0] =	ssyncadd.tile.s32 @!p0 $0x1;
	_ =	shalt  }
.Lfunc_end2:
_tile_overlayer_lowered:
.L_overlay_start_2:
0x37: {  	(tag) =	ssettag $0x2  }
0x38: {  	s0 =	rddreg [dreg:$0x0];
	s2 =	stileid.u32  }
0x39: {  	s1 =	rddreg [dreg:$0x1];
	p0 =	sne.s32 s2, $0x0  }
0x3a: {  	s3 =	rddreg [dreg:$0x2];
	[bflag:$0x3] =	sbarrier.arrive $0xFFFF;
	s2 =	simm.s32 @!p0 $0x1C01  }
0x3b: {  	[timem:s3], [sflag:s2] =	dma.local @!p0 [hbm:s0], s1  }
0x3c: {  	s0 =	simm.s32 @!p0 $0x1  }
0x3d: {  	_ =	swait.ge @!p0 [sflag:s0], s1  }
0x3e: {  	s1 =	ssub.s32 @!p0 $0x0, s1;
	[sflag:s0] =	ssyncset.done @!p0 $0x0  }
0x3f: {  	[sflag:s0] =	ssyncadd.s32 @!p0 s1  }
0x40: {  	[bflag:$0x3] =	sbarrier.arrive $0xFFFF  }
0x41: {  	_ =	shalt  }

</sc_bundles>
